<compile_context>
chip_gen: v7x
topology: tpu7x:2x2x1
jax: 0.10.2.dev20260603
libtpu: 0.0.44.dev20260713+nightly
codegen_flags: <defaults>
</compile_context>

<pallas_src>
import functools

import jax
import jax.numpy as jnp
from jax import lax
from jax.experimental import pallas as pl
from jax.experimental.pallas import tpu as pltpu
from jax.experimental.pallas import tpu_sc as plsc

_NC = 2
_NS = 16
_NW = _NC * _NS


@functools.lru_cache(maxsize=None)
def _make_drow_gather(hist: int, batch: int, vocab: int, d: int):
    d_per_w = d // _NW
    n_pairs = hist // 2
    nv = batch // 16
    assert d % _NW == 0 and hist % 2 == 0 and batch % 16 == 0

    mesh = plsc.VectorSubcoreMesh(core_axis_name="c", subcore_axis_name="s")

    @functools.partial(
        pl.kernel,
        mesh=mesh,
        compiler_params=pltpu.CompilerParams(
            use_tc_tiling_on_sc=False, needs_layout_passes=False
        ),
        out_type=jax.ShapeDtypeStruct((hist, d, batch), jnp.float32),
        scratch_types=[
            pltpu.VMEM((vocab,), jnp.float32),
            pltpu.VMEM((batch,), jnp.int32),
            pltpu.VMEM((batch,), jnp.int32),
            pltpu.VMEM((batch,), jnp.float32),
            pltpu.VMEM((batch,), jnp.float32),
            pltpu.SemaphoreType.DMA,
            pltpu.SemaphoreType.DMA,
            pltpu.SemaphoreType.DMA,
            pltpu.SemaphoreType.DMA,
        ],
    )
    def drow_kernel(idx_hbm, tab_hbm, out_hbm, row, ib0, ib1, ob0, ob1,
                    isem0, isem1, osem0, osem1):
        wid = lax.axis_index("s") * _NC + lax.axis_index("c")

        def fire_idx(h, ib, isem):
            pltpu.async_copy(idx_hbm.at[h], ib, isem)

        def wait_idx(h, ib, isem):
            pltpu.make_async_copy(idx_hbm.at[h], ib, isem).wait()

        for dpass in range(d_per_w):
            dd = wid * d_per_w + dpass
            pltpu.sync_copy(tab_hbm.at[dd], row)

            def fire_out(h, ob, osem):
                pltpu.async_copy(ob, out_hbm.at[h, dd], osem)

            def wait_out(h, ob, osem):
                pltpu.make_async_copy(ob, out_hbm.at[h, dd], osem).wait()

            def gather_row(ib, ob):
                @plsc.parallel_loop(0, nv, unroll=16)
                def _gather(v):
                    iv = ib[pl.ds(v * 16, 16)]
                    ob[pl.ds(v * 16, 16)] = plsc.load_gather(row, [iv])

            fire_idx(0, ib0, isem0)
            fire_idx(1, ib1, isem1)

            def body(t, carry):
                h0 = 2 * t
                h1 = h0 + 1

                @pl.when(t >= 1)
                def _wait_prev_out0():
                    wait_out(h0 - 2, ob0, osem0)

                wait_idx(h0, ib0, isem0)
                gather_row(ib0, ob0)
                fire_out(h0, ob0, osem0)

                @pl.when(t < n_pairs - 1)
                def _prefetch_idx0():
                    fire_idx(h0 + 2, ib0, isem0)

                @pl.when(t >= 1)
                def _wait_prev_out1():
                    wait_out(h1 - 2, ob1, osem1)

                wait_idx(h1, ib1, isem1)
                gather_row(ib1, ob1)
                fire_out(h1, ob1, osem1)

                @pl.when(t < n_pairs - 1)
                def _prefetch_idx1():
                    fire_idx(h1 + 2, ib1, isem1)

                return carry

            lax.fori_loop(0, n_pairs, body, 0)
            wait_out(hist - 2, ob0, osem0)
            wait_out(hist - 1, ob1, osem1)

    return drow_kernel


def kernel(indices, table):
    batch, hist = indices.shape
    vocab, d = table.shape
    idx_t = jnp.transpose(indices).astype(jnp.int32)
    tab_t = jnp.transpose(table)
    out_t = _make_drow_gather(hist, batch, vocab, d)(idx_t, tab_t)
    return jnp.transpose(out_t, (2, 0, 1))

# --- scband reference (transcript-rebuilt; emitter-appended) ---
"""Pipeline reference for scband-prompt-encoder-45406394254042 (READ-ONLY COPY).

The authoritative reference and input builder live on the scoring server;
editing this copy changes nothing except your own understanding.
"""

import jax, jax.numpy as jnp
import numpy as np

LENGTH = 100000
EMBED_DIM = 64
BATCH = 4096
HIST = 200
ID_OFFSET = 0

def setup_inputs(seed: int = 0) -> dict:
    key = jax.random.key(seed)
    k1, k2 = jax.random.split(key)
    indices = jax.random.randint(k1, (BATCH, HIST), 0, LENGTH, dtype=jnp.int64 if jax.config.jax_enable_x64 else jnp.int32)
    table = jax.random.normal(k2, (LENGTH, EMBED_DIM), dtype=jnp.float32)
    return {"indices": indices, "table": table}

def reference(indices, table):
    # PromptEncoder lookup: embedding(ids - id_offset); id_offset = 0 here.
    local_ids = indices - ID_OFFSET
    return jnp.take(table, local_ids, axis=0)

if __name__ == "__main__":
    import jax
    _d = setup_inputs()
    print(jax.jit(kernel)(*tuple(_d.values())))

</pallas_src>

<mosaic_0001>
#map = affine_map<(d0, d1) -> (0, 0)>
#map1 = affine_map<(d0, d1) -> (0, 0, 0)>
module attributes {stable_mosaic.version = 14 : i64} {
  func.func @drow_kernel(%arg0: i32, %arg1: i32, %arg2: memref<200x4096xi32, #tpu.memory_space<hbm>>, %arg3: memref<64x100000xf32, #tpu.memory_space<hbm>>, %arg4: memref<200x64x4096xf32, #tpu.memory_space<hbm>>, %arg5: memref<100000xf32, #tpu.memory_space<vmem>>, %arg6: memref<4096xi32, #tpu.memory_space<vmem>>, %arg7: memref<4096xi32, #tpu.memory_space<vmem>>, %arg8: memref<4096xf32, #tpu.memory_space<vmem>>, %arg9: memref<4096xf32, #tpu.memory_space<vmem>>, %arg10: memref<!tpu.dma_semaphore, #tpu.memory_space<semaphore_mem>>, %arg11: memref<!tpu.dma_semaphore, #tpu.memory_space<semaphore_mem>>, %arg12: memref<!tpu.dma_semaphore, #tpu.memory_space<semaphore_mem>>, %arg13: memref<!tpu.dma_semaphore, #tpu.memory_space<semaphore_mem>>) attributes {dimension_semantics = [#tpu.dimension_semantics<core_parallel>, #tpu.dimension_semantics<subcore_parallel>], iteration_bounds = array<i64: 2, 16>, scalar_prefetch = 0 : i64, scratch_operands = 9 : i64, tpu.core_type = #tpu.core_type<sc_vector_subcore>, window_params = [{transform_indices = #map}, {transform_indices = #map}, {transform_indices = #map1}]} {
    %mul3A = arith.constant 2 : i32
    %mul3A_0 = arith.muli %arg1, %mul3A : i32
    %add3A = arith.addi %mul3A_0, %arg0 : i32
    %mul3A_1 = arith.constant 2 : i32
    %mul3A_2 = arith.muli %add3A, %mul3A_1 : i32
    %add3A_3 = arith.constant 0 : i32
    %add3A_4 = arith.addi %mul3A_2, %add3A_3 : i32
    "tpu.region"() ({
      %run_scoped3A = tpu.sem_alloc : memref<!tpu.dma_semaphore, #tpu.memory_space<semaphore_mem>>
      %dma_start3A_74 = arith.constant 0 : i32
      %dma_start3A_75 = tpu.memref_slice %arg3[%add3A_4, %dma_start3A_74] : memref<64x100000xf32, #tpu.memory_space<hbm>> -> memref<1x100000xf32, #tpu.memory_space<hbm>>
      %dma_start3A_76 = tpu.memref_squeeze %dma_start3A_75 : memref<1x100000xf32, #tpu.memory_space<hbm>> -> memref<100000xf32, #tpu.memory_space<hbm>>
      %dma_start3A_77 = arith.constant 0 : i32
      %dma_start3A_78 = tpu.memref_slice %arg3[%add3A_4, %dma_start3A_77] : memref<64x100000xf32, #tpu.memory_space<hbm>> -> memref<1x100000xf32, #tpu.memory_space<hbm>>
      %dma_start3A_79 = tpu.memref_squeeze %dma_start3A_78 : memref<1x100000xf32, #tpu.memory_space<hbm>> -> memref<100000xf32, #tpu.memory_space<hbm>>
      tpu.enqueue_dma source(%dma_start3A_79 : memref<100000xf32, #tpu.memory_space<hbm>>) target(%arg5 : memref<100000xf32, #tpu.memory_space<vmem>>) target_semaphore(%run_scoped3A : memref<!tpu.dma_semaphore, #tpu.memory_space<semaphore_mem>>)
      %dma_wait3A_80 = arith.constant 0 : i32
      %dma_wait3A_81 = tpu.memref_slice %arg3[%add3A_4, %dma_wait3A_80] : memref<64x100000xf32, #tpu.memory_space<hbm>> -> memref<1x100000xf32, #tpu.memory_space<hbm>>
      %dma_wait3A_82 = tpu.memref_squeeze %dma_wait3A_81 : memref<1x100000xf32, #tpu.memory_space<hbm>> -> memref<100000xf32, #tpu.memory_space<hbm>>
      %dma_wait3A_83 = arith.constant 0 : i32
      %dma_wait3A_84 = tpu.memref_slice %arg3[%add3A_4, %dma_wait3A_83] : memref<64x100000xf32, #tpu.memory_space<hbm>> -> memref<1x100000xf32, #tpu.memory_space<hbm>>
      %dma_wait3A_85 = tpu.memref_squeeze %dma_wait3A_84 : memref<1x100000xf32, #tpu.memory_space<hbm>> -> memref<100000xf32, #tpu.memory_space<hbm>>
      tpu.wait_dma2 semaphore(%run_scoped3A : memref<!tpu.dma_semaphore, #tpu.memory_space<semaphore_mem>>) src(%dma_wait3A_85 : memref<100000xf32, #tpu.memory_space<hbm>>) dst(%arg5 : memref<100000xf32, #tpu.memory_space<vmem>>)
      tpu.yield
    }) : () -> ()
    %dma_start3A = arith.constant 0 : i32
    %dma_start3A_5 = arith.constant 0 : i32
    %dma_start3A_6 = tpu.memref_slice %arg2[%dma_start3A, %dma_start3A_5] : memref<200x4096xi32, #tpu.memory_space<hbm>> -> memref<1x4096xi32, #tpu.memory_space<hbm>>
    %dma_start3A_7 = tpu.memref_squeeze %dma_start3A_6 : memref<1x4096xi32, #tpu.memory_space<hbm>> -> memref<4096xi32, #tpu.memory_space<hbm>>
    %dma_start3A_8 = arith.constant 0 : i32
    %dma_start3A_9 = tpu.memref_slice %arg2[%dma_start3A, %dma_start3A_8] : memref<200x4096xi32, #tpu.memory_space<hbm>> -> memref<1x4096xi32, #tpu.memory_space<hbm>>
    %dma_start3A_10 = tpu.memref_squeeze %dma_start3A_9 : memref<1x4096xi32, #tpu.memory_space<hbm>> -> memref<4096xi32, #tpu.memory_space<hbm>>
    tpu.enqueue_dma source(%dma_start3A_10 : memref<4096xi32, #tpu.memory_space<hbm>>) target(%arg6 : memref<4096xi32, #tpu.memory_space<vmem>>) target_semaphore(%arg10 : memref<!tpu.dma_semaphore, #tpu.memory_space<semaphore_mem>>)
    %dma_start3A_11 = arith.constant 1 : i32
    %dma_start3A_12 = arith.constant 0 : i32
    %dma_start3A_13 = tpu.memref_slice %arg2[%dma_start3A_11, %dma_start3A_12] : memref<200x4096xi32, #tpu.memory_space<hbm>> -> memref<1x4096xi32, #tpu.memory_space<hbm>>
    %dma_start3A_14 = tpu.memref_squeeze %dma_start3A_13 : memref<1x4096xi32, #tpu.memory_space<hbm>> -> memref<4096xi32, #tpu.memory_space<hbm>>
    %dma_start3A_15 = arith.constant 0 : i32
    %dma_start3A_16 = tpu.memref_slice %arg2[%dma_start3A_11, %dma_start3A_15] : memref<200x4096xi32, #tpu.memory_space<hbm>> -> memref<1x4096xi32, #tpu.memory_space<hbm>>
    %dma_start3A_17 = tpu.memref_squeeze %dma_start3A_16 : memref<1x4096xi32, #tpu.memory_space<hbm>> -> memref<4096xi32, #tpu.memory_space<hbm>>
    tpu.enqueue_dma source(%dma_start3A_17 : memref<4096xi32, #tpu.memory_space<hbm>>) target(%arg7 : memref<4096xi32, #tpu.memory_space<vmem>>) target_semaphore(%arg11 : memref<!tpu.dma_semaphore, #tpu.memory_space<semaphore_mem>>)
    %scan3A = arith.constant 0 : i32
    %scan3A_18 = arith.constant 0 : i32
    %scan3A_19 = arith.constant 100 : i32
    %scan3A_20 = arith.addi %scan3A_18, %scan3A_19 : i32
    %scan3A_21 = arith.constant 1 : i32
    scf.for %scan3A_74 = %scan3A_18 to %scan3A_20 step %scan3A_21  : i32 {
      %mul3A_75 = arith.constant 2 : i32
      %mul3A_76 = arith.muli %mul3A_75, %scan3A_74 : i32
      %add3A_77 = arith.constant 1 : i32
      %add3A_78 = arith.addi %mul3A_76, %add3A_77 : i32
      %ge3A = arith.constant 1 : i32
      %ge3A_79 = arith.cmpi sge, %scan3A_74, %ge3A : i32
      %convert_element_type3A = arith.extui %ge3A_79 : i1 to i32
      %cond3A = arith.constant 0 : i32
      %cond3A_80 = arith.cmpi ne, %convert_element_type3A, %cond3A : i32
      scf.if %cond3A_80 {
        %sub3A = arith.constant 2 : i32
        %sub3A_124 = arith.subi %mul3A_76, %sub3A : i32
        %dma_wait3A_125 = arith.constant 0 : i32
        %dma_wait3A_126 = tpu.memref_slice %arg4[%sub3A_124, %add3A_4, %dma_wait3A_125] : memref<200x64x4096xf32, #tpu.memory_space<hbm>> -> memref<1x1x4096xf32, #tpu.memory_space<hbm>>
        %dma_wait3A_127 = tpu.memref_squeeze %dma_wait3A_126 : memref<1x1x4096xf32, #tpu.memory_space<hbm>> -> memref<4096xf32, #tpu.memory_space<hbm>>
        %dma_wait3A_128 = arith.constant 0 : i32
        %dma_wait3A_129 = tpu.memref_slice %arg4[%sub3A_124, %add3A_4, %dma_wait3A_128] : memref<200x64x4096xf32, #tpu.memory_space<hbm>> -> memref<1x1x4096xf32, #tpu.memory_space<hbm>>
        %dma_wait3A_130 = tpu.memref_squeeze %dma_wait3A_129 : memref<1x1x4096xf32, #tpu.memory_space<hbm>> -> memref<4096xf32, #tpu.memory_space<hbm>>
        tpu.wait_dma2 semaphore(%arg12 : memref<!tpu.dma_semaphore, #tpu.memory_space<semaphore_mem>>) src(%arg8 : memref<4096xf32, #tpu.memory_space<vmem>>) dst(%dma_wait3A_130 : memref<4096xf32, #tpu.memory_space<hbm>>)
      } else {
      }
      %dma_wait3A_81 = arith.constant 0 : i32
      %dma_wait3A_82 = tpu.memref_slice %arg2[%mul3A_76, %dma_wait3A_81] : memref<200x4096xi32, #tpu.memory_space<hbm>> -> memref<1x4096xi32, #tpu.memory_space<hbm>>
      %dma_wait3A_83 = tpu.memref_squeeze %dma_wait3A_82 : memref<1x4096xi32, #tpu.memory_space<hbm>> -> memref<4096xi32, #tpu.memory_space<hbm>>
      %dma_wait3A_84 = arith.constant 0 : i32
      %dma_wait3A_85 = tpu.memref_slice %arg2[%mul3A_76, %dma_wait3A_84] : memref<200x4096xi32, #tpu.memory_space<hbm>> -> memref<1x4096xi32, #tpu.memory_space<hbm>>
      %dma_wait3A_86 = tpu.memref_squeeze %dma_wait3A_85 : memref<1x4096xi32, #tpu.memory_space<hbm>> -> memref<4096xi32, #tpu.memory_space<hbm>>
      tpu.wait_dma2 semaphore(%arg10 : memref<!tpu.dma_semaphore, #tpu.memory_space<semaphore_mem>>) src(%dma_wait3A_86 : memref<4096xi32, #tpu.memory_space<hbm>>) dst(%arg6 : memref<4096xi32, #tpu.memory_space<vmem>>)
      %parallel_loop3A = arith.constant 0 : i32
      %parallel_loop3A_87 = arith.constant 256 : i32
      %parallel_loop3A_88 = arith.constant 1 : i32
      scf.for %parallel_loop3A_124 = %parallel_loop3A to %parallel_loop3A_87 step %parallel_loop3A_88  : i32 {
        %parallel_loop3A_125 = arith.constant 16 : i32
        %parallel_loop3A_126 = arith.muli %parallel_loop3A_124, %parallel_loop3A_125 : i32
        %parallel_loop3A_127 = arith.index_cast %parallel_loop3A_126 : i32 to index
        %parallel_loop3A_128 = tpu.vector_load %arg6[%parallel_loop3A_127] {strides = array<i32>} : memref<4096xi32, #tpu.memory_space<vmem>>, vector<16xi32>,
        %parallel_loop3A_129 = tpu.vector_load_idx %arg5[%parallel_loop3A_128] : memref<100000xf32, #tpu.memory_space<vmem>>[vector<16xi32>], vector<16xf32>,
        %parallel_loop3A_130 = arith.constant 16 : i32
        %parallel_loop3A_131 = arith.muli %parallel_loop3A_124, %parallel_loop3A_130 : i32
        %parallel_loop3A_132 = arith.index_cast %parallel_loop3A_131 : i32 to index
        %parallel_loop3A_133 = tpu.vector_load %arg8[%parallel_loop3A_132] {strides = array<i32>} : memref<4096xf32, #tpu.memory_space<vmem>>, vector<16xf32>,
        tpu.vector_store %arg8[%parallel_loop3A_132], %parallel_loop3A_129 {strides = array<i32>} : memref<4096xf32, #tpu.memory_space<vmem>>, vector<16xf32>,
      } {sc.loop_unroll_factor = 16 : i64, sc.parallel_access}
      %dma_start3A_89 = arith.constant 0 : i32
      %dma_start3A_90 = tpu.memref_slice %arg4[%mul3A_76, %add3A_4, %dma_start3A_89] : memref<200x64x4096xf32, #tpu.memory_space<hbm>> -> memref<1x1x4096xf32, #tpu.memory_space<hbm>>
      %dma_start3A_91 = tpu.memref_squeeze %dma_start3A_90 : memref<1x1x4096xf32, #tpu.memory_space<hbm>> -> memref<4096xf32, #tpu.memory_space<hbm>>
      %dma_start3A_92 = arith.constant 0 : i32
      %dma_start3A_93 = tpu.memref_slice %arg4[%mul3A_76, %add3A_4, %dma_start3A_92] : memref<200x64x4096xf32, #tpu.memory_space<hbm>> -> memref<1x1x4096xf32, #tpu.memory_space<hbm>>
      %dma_start3A_94 = tpu.memref_squeeze %dma_start3A_93 : memref<1x1x4096xf32, #tpu.memory_space<hbm>> -> memref<4096xf32, #tpu.memory_space<hbm>>
      tpu.enqueue_dma source(%arg8 : memref<4096xf32, #tpu.memory_space<vmem>>) target(%dma_start3A_94 : memref<4096xf32, #tpu.memory_space<hbm>>) target_semaphore(%arg12 : memref<!tpu.dma_semaphore, #tpu.memory_space<semaphore_mem>>)
      %lt3A = arith.constant 99 : i32
      %lt3A_95 = arith.cmpi slt, %scan3A_74, %lt3A : i32
      %convert_element_type3A_96 = arith.extui %lt3A_95 : i1 to i32
      %cond3A_97 = arith.constant 0 : i32
      %cond3A_98 = arith.cmpi ne, %convert_element_type3A_96, %cond3A_97 : i32
      scf.if %cond3A_98 {
        %add3A_124 = arith.constant 2 : i32
        %add3A_125 = arith.addi %mul3A_76, %add3A_124 : i32
        %dma_start3A_126 = arith.constant 0 : i32
        %dma_start3A_127 = tpu.memref_slice %arg2[%add3A_125, %dma_start3A_126] : memref<200x4096xi32, #tpu.memory_space<hbm>> -> memref<1x4096xi32, #tpu.memory_space<hbm>>
        %dma_start3A_128 = tpu.memref_squeeze %dma_start3A_127 : memref<1x4096xi32, #tpu.memory_space<hbm>> -> memref<4096xi32, #tpu.memory_space<hbm>>
        %dma_start3A_129 = arith.constant 0 : i32
        %dma_start3A_130 = tpu.memref_slice %arg2[%add3A_125, %dma_start3A_129] : memref<200x4096xi32, #tpu.memory_space<hbm>> -> memref<1x4096xi32, #tpu.memory_space<hbm>>
        %dma_start3A_131 = tpu.memref_squeeze %dma_start3A_130 : memref<1x4096xi32, #tpu.memory_space<hbm>> -> memref<4096xi32, #tpu.memory_space<hbm>>
        tpu.enqueue_dma source(%dma_start3A_131 : memref<4096xi32, #tpu.memory_space<hbm>>) target(%arg6 : memref<4096xi32, #tpu.memory_space<vmem>>) target_semaphore(%arg10 : memref<!tpu.dma_semaphore, #tpu.memory_space<semaphore_mem>>)
      } else {
      }
      %ge3A_99 = arith.constant 1 : i32
      %ge3A_100 = arith.cmpi sge, %scan3A_74, %ge3A_99 : i32
      %convert_element_type3A_101 = arith.extui %ge3A_100 : i1 to i32
      %cond3A_102 = arith.constant 0 : i32
      %cond3A_103 = arith.cmpi ne, %convert_element_type3A_101, %cond3A_102 : i32
      scf.if %cond3A_103 {
        %sub3A = arith.constant 2 : i32
        %sub3A_124 = arith.subi %add3A_78, %sub3A : i32
        %dma_wait3A_125 = arith.constant 0 : i32
        %dma_wait3A_126 = tpu.memref_slice %arg4[%sub3A_124, %add3A_4, %dma_wait3A_125] : memref<200x64x4096xf32, #tpu.memory_space<hbm>> -> memref<1x1x4096xf32, #tpu.memory_space<hbm>>
        %dma_wait3A_127 = tpu.memref_squeeze %dma_wait3A_126 : memref<1x1x4096xf32, #tpu.memory_space<hbm>> -> memref<4096xf32, #tpu.memory_space<hbm>>
        %dma_wait3A_128 = arith.constant 0 : i32
        %dma_wait3A_129 = tpu.memref_slice %arg4[%sub3A_124, %add3A_4, %dma_wait3A_128] : memref<200x64x4096xf32, #tpu.memory_space<hbm>> -> memref<1x1x4096xf32, #tpu.memory_space<hbm>>
        %dma_wait3A_130 = tpu.memref_squeeze %dma_wait3A_129 : memref<1x1x4096xf32, #tpu.memory_space<hbm>> -> memref<4096xf32, #tpu.memory_space<hbm>>
        tpu.wait_dma2 semaphore(%arg13 : memref<!tpu.dma_semaphore, #tpu.memory_space<semaphore_mem>>) src(%arg9 : memref<4096xf32, #tpu.memory_space<vmem>>) dst(%dma_wait3A_130 : memref<4096xf32, #tpu.memory_space<hbm>>)
      } else {
      }
      %dma_wait3A_104 = arith.constant 0 : i32
      %dma_wait3A_105 = tpu.memref_slice %arg2[%add3A_78, %dma_wait3A_104] : memref<200x4096xi32, #tpu.memory_space<hbm>> -> memref<1x4096xi32, #tpu.memory_space<hbm>>
      %dma_wait3A_106 = tpu.memref_squeeze %dma_wait3A_105 : memref<1x4096xi32, #tpu.memory_space<hbm>> -> memref<4096xi32, #tpu.memory_space<hbm>>
      %dma_wait3A_107 = arith.constant 0 : i32
      %dma_wait3A_108 = tpu.memref_slice %arg2[%add3A_78, %dma_wait3A_107] : memref<200x4096xi32, #tpu.memory_space<hbm>> -> memref<1x4096xi32, #tpu.memory_space<hbm>>
      %dma_wait3A_109 = tpu.memref_squeeze %dma_wait3A_108 : memref<1x4096xi32, #tpu.memory_space<hbm>> -> memref<4096xi32, #tpu.memory_space<hbm>>
      tpu.wait_dma2 semaphore(%arg11 : memref<!tpu.dma_semaphore, #tpu.memory_space<semaphore_mem>>) src(%dma_wait3A_109 : memref<4096xi32, #tpu.memory_space<hbm>>) dst(%arg7 : memref<4096xi32, #tpu.memory_space<vmem>>)
      %parallel_loop3A_110 = arith.constant 0 : i32
      %parallel_loop3A_111 = arith.constant 256 : i32
      %parallel_loop3A_112 = arith.constant 1 : i32
      scf.for %parallel_loop3A_124 = %parallel_loop3A_110 to %parallel_loop3A_111 step %parallel_loop3A_112  : i32 {
        %parallel_loop3A_125 = arith.constant 16 : i32
        %parallel_loop3A_126 = arith.muli %parallel_loop3A_124, %parallel_loop3A_125 : i32
        %parallel_loop3A_127 = arith.index_cast %parallel_loop3A_126 : i32 to index
        %parallel_loop3A_128 = tpu.vector_load %arg7[%parallel_loop3A_127] {strides = array<i32>} : memref<4096xi32, #tpu.memory_space<vmem>>, vector<16xi32>,
        %parallel_loop3A_129 = tpu.vector_load_idx %arg5[%parallel_loop3A_128] : memref<100000xf32, #tpu.memory_space<vmem>>[vector<16xi32>], vector<16xf32>,
        %parallel_loop3A_130 = arith.constant 16 : i32
        %parallel_loop3A_131 = arith.muli %parallel_loop3A_124, %parallel_loop3A_130 : i32
        %parallel_loop3A_132 = arith.index_cast %parallel_loop3A_131 : i32 to index
        %parallel_loop3A_133 = tpu.vector_load %arg9[%parallel_loop3A_132] {strides = array<i32>} : memref<4096xf32, #tpu.memory_space<vmem>>, vector<16xf32>,
        tpu.vector_store %arg9[%parallel_loop3A_132], %parallel_loop3A_129 {strides = array<i32>} : memref<4096xf32, #tpu.memory_space<vmem>>, vector<16xf32>,
      } {sc.loop_unroll_factor = 16 : i64, sc.parallel_access}
      %dma_start3A_113 = arith.constant 0 : i32
      %dma_start3A_114 = tpu.memref_slice %arg4[%add3A_78, %add3A_4, %dma_start3A_113] : memref<200x64x4096xf32, #tpu.memory_space<hbm>> -> memref<1x1x4096xf32, #tpu.memory_space<hbm>>
      %dma_start3A_115 = tpu.memref_squeeze %dma_start3A_114 : memref<1x1x4096xf32, #tpu.memory_space<hbm>> -> memref<4096xf32, #tpu.memory_space<hbm>>
      %dma_start3A_116 = arith.constant 0 : i32
      %dma_start3A_117 = tpu.memref_slice %arg4[%add3A_78, %add3A_4, %dma_start3A_116] : memref<200x64x4096xf32, #tpu.memory_space<hbm>> -> memref<1x1x4096xf32, #tpu.memory_space<hbm>>
      %dma_start3A_118 = tpu.memref_squeeze %dma_start3A_117 : memref<1x1x4096xf32, #tpu.memory_space<hbm>> -> memref<4096xf32, #tpu.memory_space<hbm>>
      tpu.enqueue_dma source(%arg9 : memref<4096xf32, #tpu.memory_space<vmem>>) target(%dma_start3A_118 : memref<4096xf32, #tpu.memory_space<hbm>>) target_semaphore(%arg13 : memref<!tpu.dma_semaphore, #tpu.memory_space<semaphore_mem>>)
      %lt3A_119 = arith.constant 99 : i32
      %lt3A_120 = arith.cmpi slt, %scan3A_74, %lt3A_119 : i32
      %convert_element_type3A_121 = arith.extui %lt3A_120 : i1 to i32
      %cond3A_122 = arith.constant 0 : i32
      %cond3A_123 = arith.cmpi ne, %convert_element_type3A_121, %cond3A_122 : i32
      scf.if %cond3A_123 {
        %add3A_124 = arith.constant 2 : i32
        %add3A_125 = arith.addi %add3A_78, %add3A_124 : i32
        %dma_start3A_126 = arith.constant 0 : i32
        %dma_start3A_127 = tpu.memref_slice %arg2[%add3A_125, %dma_start3A_126] : memref<200x4096xi32, #tpu.memory_space<hbm>> -> memref<1x4096xi32, #tpu.memory_space<hbm>>
        %dma_start3A_128 = tpu.memref_squeeze %dma_start3A_127 : memref<1x4096xi32, #tpu.memory_space<hbm>> -> memref<4096xi32, #tpu.memory_space<hbm>>
        %dma_start3A_129 = arith.constant 0 : i32
        %dma_start3A_130 = tpu.memref_slice %arg2[%add3A_125, %dma_start3A_129] : memref<200x4096xi32, #tpu.memory_space<hbm>> -> memref<1x4096xi32, #tpu.memory_space<hbm>>
        %dma_start3A_131 = tpu.memref_squeeze %dma_start3A_130 : memref<1x4096xi32, #tpu.memory_space<hbm>> -> memref<4096xi32, #tpu.memory_space<hbm>>
        tpu.enqueue_dma source(%dma_start3A_131 : memref<4096xi32, #tpu.memory_space<hbm>>) target(%arg7 : memref<4096xi32, #tpu.memory_space<vmem>>) target_semaphore(%arg11 : memref<!tpu.dma_semaphore, #tpu.memory_space<semaphore_mem>>)
      } else {
      }
    }
    %scan3A_22 = arith.constant 100 : i32
    %dma_wait3A = arith.constant 198 : i32
    %dma_wait3A_23 = arith.constant 0 : i32
    %dma_wait3A_24 = tpu.memref_slice %arg4[%dma_wait3A, %add3A_4, %dma_wait3A_23] : memref<200x64x4096xf32, #tpu.memory_space<hbm>> -> memref<1x1x4096xf32, #tpu.memory_space<hbm>>
    %dma_wait3A_25 = tpu.memref_squeeze %dma_wait3A_24 : memref<1x1x4096xf32, #tpu.memory_space<hbm>> -> memref<4096xf32, #tpu.memory_space<hbm>>
    %dma_wait3A_26 = arith.constant 0 : i32
    %dma_wait3A_27 = tpu.memref_slice %arg4[%dma_wait3A, %add3A_4, %dma_wait3A_26] : memref<200x64x4096xf32, #tpu.memory_space<hbm>> -> memref<1x1x4096xf32, #tpu.memory_space<hbm>>
    %dma_wait3A_28 = tpu.memref_squeeze %dma_wait3A_27 : memref<1x1x4096xf32, #tpu.memory_space<hbm>> -> memref<4096xf32, #tpu.memory_space<hbm>>
    tpu.wait_dma2 semaphore(%arg12 : memref<!tpu.dma_semaphore, #tpu.memory_space<semaphore_mem>>) src(%arg8 : memref<4096xf32, #tpu.memory_space<vmem>>) dst(%dma_wait3A_28 : memref<4096xf32, #tpu.memory_space<hbm>>)
    %dma_wait3A_29 = arith.constant 199 : i32
    %dma_wait3A_30 = arith.constant 0 : i32
    %dma_wait3A_31 = tpu.memref_slice %arg4[%dma_wait3A_29, %add3A_4, %dma_wait3A_30] : memref<200x64x4096xf32, #tpu.memory_space<hbm>> -> memref<1x1x4096xf32, #tpu.memory_space<hbm>>
    %dma_wait3A_32 = tpu.memref_squeeze %dma_wait3A_31 : memref<1x1x4096xf32, #tpu.memory_space<hbm>> -> memref<4096xf32, #tpu.memory_space<hbm>>
    %dma_wait3A_33 = arith.constant 0 : i32
    %dma_wait3A_34 = tpu.memref_slice %arg4[%dma_wait3A_29, %add3A_4, %dma_wait3A_33] : memref<200x64x4096xf32, #tpu.memory_space<hbm>> -> memref<1x1x4096xf32, #tpu.memory_space<hbm>>
    %dma_wait3A_35 = tpu.memref_squeeze %dma_wait3A_34 : memref<1x1x4096xf32, #tpu.memory_space<hbm>> -> memref<4096xf32, #tpu.memory_space<hbm>>
    tpu.wait_dma2 semaphore(%arg13 : memref<!tpu.dma_semaphore, #tpu.memory_space<semaphore_mem>>) src(%arg9 : memref<4096xf32, #tpu.memory_space<vmem>>) dst(%dma_wait3A_35 : memref<4096xf32, #tpu.memory_space<hbm>>)
    %mul3A_36 = arith.constant 2 : i32
    %mul3A_37 = arith.muli %add3A, %mul3A_36 : i32
    %add3A_38 = arith.constant 1 : i32
    %add3A_39 = arith.addi %mul3A_37, %add3A_38 : i32
    "tpu.region"() ({
      %run_scoped3A = tpu.sem_alloc : memref<!tpu.dma_semaphore, #tpu.memory_space<semaphore_mem>>
      %dma_start3A_74 = arith.constant 0 : i32
      %dma_start3A_75 = tpu.memref_slice %arg3[%add3A_39, %dma_start3A_74] : memref<64x100000xf32, #tpu.memory_space<hbm>> -> memref<1x100000xf32, #tpu.memory_space<hbm>>
      %dma_start3A_76 = tpu.memref_squeeze %dma_start3A_75 : memref<1x100000xf32, #tpu.memory_space<hbm>> -> memref<100000xf32, #tpu.memory_space<hbm>>
      %dma_start3A_77 = arith.constant 0 : i32
      %dma_start3A_78 = tpu.memref_slice %arg3[%add3A_39, %dma_start3A_77] : memref<64x100000xf32, #tpu.memory_space<hbm>> -> memref<1x100000xf32, #tpu.memory_space<hbm>>
      %dma_start3A_79 = tpu.memref_squeeze %dma_start3A_78 : memref<1x100000xf32, #tpu.memory_space<hbm>> -> memref<100000xf32, #tpu.memory_space<hbm>>
      tpu.enqueue_dma source(%dma_start3A_79 : memref<100000xf32, #tpu.memory_space<hbm>>) target(%arg5 : memref<100000xf32, #tpu.memory_space<vmem>>) target_semaphore(%run_scoped3A : memref<!tpu.dma_semaphore, #tpu.memory_space<semaphore_mem>>)
      %dma_wait3A_80 = arith.constant 0 : i32
      %dma_wait3A_81 = tpu.memref_slice %arg3[%add3A_39, %dma_wait3A_80] : memref<64x100000xf32, #tpu.memory_space<hbm>> -> memref<1x100000xf32, #tpu.memory_space<hbm>>
      %dma_wait3A_82 = tpu.memref_squeeze %dma_wait3A_81 : memref<1x100000xf32, #tpu.memory_space<hbm>> -> memref<100000xf32, #tpu.memory_space<hbm>>
      %dma_wait3A_83 = arith.constant 0 : i32
      %dma_wait3A_84 = tpu.memref_slice %arg3[%add3A_39, %dma_wait3A_83] : memref<64x100000xf32, #tpu.memory_space<hbm>> -> memref<1x100000xf32, #tpu.memory_space<hbm>>
      %dma_wait3A_85 = tpu.memref_squeeze %dma_wait3A_84 : memref<1x100000xf32, #tpu.memory_space<hbm>> -> memref<100000xf32, #tpu.memory_space<hbm>>
      tpu.wait_dma2 semaphore(%run_scoped3A : memref<!tpu.dma_semaphore, #tpu.memory_space<semaphore_mem>>) src(%dma_wait3A_85 : memref<100000xf32, #tpu.memory_space<hbm>>) dst(%arg5 : memref<100000xf32, #tpu.memory_space<vmem>>)
      tpu.yield
    }) : () -> ()
    %dma_start3A_40 = arith.constant 0 : i32
    %dma_start3A_41 = arith.constant 0 : i32
    %dma_start3A_42 = tpu.memref_slice %arg2[%dma_start3A_40, %dma_start3A_41] : memref<200x4096xi32, #tpu.memory_space<hbm>> -> memref<1x4096xi32, #tpu.memory_space<hbm>>
    %dma_start3A_43 = tpu.memref_squeeze %dma_start3A_42 : memref<1x4096xi32, #tpu.memory_space<hbm>> -> memref<4096xi32, #tpu.memory_space<hbm>>
    %dma_start3A_44 = arith.constant 0 : i32
    %dma_start3A_45 = tpu.memref_slice %arg2[%dma_start3A_40, %dma_start3A_44] : memref<200x4096xi32, #tpu.memory_space<hbm>> -> memref<1x4096xi32, #tpu.memory_space<hbm>>
    %dma_start3A_46 = tpu.memref_squeeze %dma_start3A_45 : memref<1x4096xi32, #tpu.memory_space<hbm>> -> memref<4096xi32, #tpu.memory_space<hbm>>
    tpu.enqueue_dma source(%dma_start3A_46 : memref<4096xi32, #tpu.memory_space<hbm>>) target(%arg6 : memref<4096xi32, #tpu.memory_space<vmem>>) target_semaphore(%arg10 : memref<!tpu.dma_semaphore, #tpu.memory_space<semaphore_mem>>)
    %dma_start3A_47 = arith.constant 1 : i32
    %dma_start3A_48 = arith.constant 0 : i32
    %dma_start3A_49 = tpu.memref_slice %arg2[%dma_start3A_47, %dma_start3A_48] : memref<200x4096xi32, #tpu.memory_space<hbm>> -> memref<1x4096xi32, #tpu.memory_space<hbm>>
    %dma_start3A_50 = tpu.memref_squeeze %dma_start3A_49 : memref<1x4096xi32, #tpu.memory_space<hbm>> -> memref<4096xi32, #tpu.memory_space<hbm>>
    %dma_start3A_51 = arith.constant 0 : i32
    %dma_start3A_52 = tpu.memref_slice %arg2[%dma_start3A_47, %dma_start3A_51] : memref<200x4096xi32, #tpu.memory_space<hbm>> -> memref<1x4096xi32, #tpu.memory_space<hbm>>
    %dma_start3A_53 = tpu.memref_squeeze %dma_start3A_52 : memref<1x4096xi32, #tpu.memory_space<hbm>> -> memref<4096xi32, #tpu.memory_space<hbm>>
    tpu.enqueue_dma source(%dma_start3A_53 : memref<4096xi32, #tpu.memory_space<hbm>>) target(%arg7 : memref<4096xi32, #tpu.memory_space<vmem>>) target_semaphore(%arg11 : memref<!tpu.dma_semaphore, #tpu.memory_space<semaphore_mem>>)
    %scan3A_54 = arith.constant 0 : i32
    %scan3A_55 = arith.constant 0 : i32
    %scan3A_56 = arith.constant 100 : i32
    %scan3A_57 = arith.addi %scan3A_55, %scan3A_56 : i32
    %scan3A_58 = arith.constant 1 : i32
    scf.for %scan3A_74 = %scan3A_55 to %scan3A_57 step %scan3A_58  : i32 {
      %mul3A_75 = arith.constant 2 : i32
      %mul3A_76 = arith.muli %mul3A_75, %scan3A_74 : i32
      %add3A_77 = arith.constant 1 : i32
      %add3A_78 = arith.addi %mul3A_76, %add3A_77 : i32
      %ge3A = arith.constant 1 : i32
      %ge3A_79 = arith.cmpi sge, %scan3A_74, %ge3A : i32
      %convert_element_type3A = arith.extui %ge3A_79 : i1 to i32
      %cond3A = arith.constant 0 : i32
      %cond3A_80 = arith.cmpi ne, %convert_element_type3A, %cond3A : i32
      scf.if %cond3A_80 {
        %sub3A = arith.constant 2 : i32
        %sub3A_124 = arith.subi %mul3A_76, %sub3A : i32
        %dma_wait3A_125 = arith.constant 0 : i32
        %dma_wait3A_126 = tpu.memref_slice %arg4[%sub3A_124, %add3A_39, %dma_wait3A_125] : memref<200x64x4096xf32, #tpu.memory_space<hbm>> -> memref<1x1x4096xf32, #tpu.memory_space<hbm>>
        %dma_wait3A_127 = tpu.memref_squeeze %dma_wait3A_126 : memref<1x1x4096xf32, #tpu.memory_space<hbm>> -> memref<4096xf32, #tpu.memory_space<hbm>>
        %dma_wait3A_128 = arith.constant 0 : i32
        %dma_wait3A_129 = tpu.memref_slice %arg4[%sub3A_124, %add3A_39, %dma_wait3A_128] : memref<200x64x4096xf32, #tpu.memory_space<hbm>> -> memref<1x1x4096xf32, #tpu.memory_space<hbm>>
        %dma_wait3A_130 = tpu.memref_squeeze %dma_wait3A_129 : memref<1x1x4096xf32, #tpu.memory_space<hbm>> -> memref<4096xf32, #tpu.memory_space<hbm>>
        tpu.wait_dma2 semaphore(%arg12 : memref<!tpu.dma_semaphore, #tpu.memory_space<semaphore_mem>>) src(%arg8 : memref<4096xf32, #tpu.memory_space<vmem>>) dst(%dma_wait3A_130 : memref<4096xf32, #tpu.memory_space<hbm>>)
      } else {
      }
      %dma_wait3A_81 = arith.constant 0 : i32
      %dma_wait3A_82 = tpu.memref_slice %arg2[%mul3A_76, %dma_wait3A_81] : memref<200x4096xi32, #tpu.memory_space<hbm>> -> memref<1x4096xi32, #tpu.memory_space<hbm>>
      %dma_wait3A_83 = tpu.memref_squeeze %dma_wait3A_82 : memref<1x4096xi32, #tpu.memory_space<hbm>> -> memref<4096xi32, #tpu.memory_space<hbm>>
      %dma_wait3A_84 = arith.constant 0 : i32
      %dma_wait3A_85 = tpu.memref_slice %arg2[%mul3A_76, %dma_wait3A_84] : memref<200x4096xi32, #tpu.memory_space<hbm>> -> memref<1x4096xi32, #tpu.memory_space<hbm>>
      %dma_wait3A_86 = tpu.memref_squeeze %dma_wait3A_85 : memref<1x4096xi32, #tpu.memory_space<hbm>> -> memref<4096xi32, #tpu.memory_space<hbm>>
      tpu.wait_dma2 semaphore(%arg10 : memref<!tpu.dma_semaphore, #tpu.memory_space<semaphore_mem>>) src(%dma_wait3A_86 : memref<4096xi32, #tpu.memory_space<hbm>>) dst(%arg6 : memref<4096xi32, #tpu.memory_space<vmem>>)
      %parallel_loop3A = arith.constant 0 : i32
      %parallel_loop3A_87 = arith.constant 256 : i32
      %parallel_loop3A_88 = arith.constant 1 : i32
      scf.for %parallel_loop3A_124 = %parallel_loop3A to %parallel_loop3A_87 step %parallel_loop3A_88  : i32 {
        %parallel_loop3A_125 = arith.constant 16 : i32
        %parallel_loop3A_126 = arith.muli %parallel_loop3A_124, %parallel_loop3A_125 : i32
        %parallel_loop3A_127 = arith.index_cast %parallel_loop3A_126 : i32 to index
        %parallel_loop3A_128 = tpu.vector_load %arg6[%parallel_loop3A_127] {strides = array<i32>} : memref<4096xi32, #tpu.memory_space<vmem>>, vector<16xi32>,
        %parallel_loop3A_129 = tpu.vector_load_idx %arg5[%parallel_loop3A_128] : memref<100000xf32, #tpu.memory_space<vmem>>[vector<16xi32>], vector<16xf32>,
        %parallel_loop3A_130 = arith.constant 16 : i32
        %parallel_loop3A_131 = arith.muli %parallel_loop3A_124, %parallel_loop3A_130 : i32
        %parallel_loop3A_132 = arith.index_cast %parallel_loop3A_131 : i32 to index
        %parallel_loop3A_133 = tpu.vector_load %arg8[%parallel_loop3A_132] {strides = array<i32>} : memref<4096xf32, #tpu.memory_space<vmem>>, vector<16xf32>,
        tpu.vector_store %arg8[%parallel_loop3A_132], %parallel_loop3A_129 {strides = array<i32>} : memref<4096xf32, #tpu.memory_space<vmem>>, vector<16xf32>,
      } {sc.loop_unroll_factor = 16 : i64, sc.parallel_access}
      %dma_start3A_89 = arith.constant 0 : i32
      %dma_start3A_90 = tpu.memref_slice %arg4[%mul3A_76, %add3A_39, %dma_start3A_89] : memref<200x64x4096xf32, #tpu.memory_space<hbm>> -> memref<1x1x4096xf32, #tpu.memory_space<hbm>>
      %dma_start3A_91 = tpu.memref_squeeze %dma_start3A_90 : memref<1x1x4096xf32, #tpu.memory_space<hbm>> -> memref<4096xf32, #tpu.memory_space<hbm>>
      %dma_start3A_92 = arith.constant 0 : i32
      %dma_start3A_93 = tpu.memref_slice %arg4[%mul3A_76, %add3A_39, %dma_start3A_92] : memref<200x64x4096xf32, #tpu.memory_space<hbm>> -> memref<1x1x4096xf32, #tpu.memory_space<hbm>>
      %dma_start3A_94 = tpu.memref_squeeze %dma_start3A_93 : memref<1x1x4096xf32, #tpu.memory_space<hbm>> -> memref<4096xf32, #tpu.memory_space<hbm>>
      tpu.enqueue_dma source(%arg8 : memref<4096xf32, #tpu.memory_space<vmem>>) target(%dma_start3A_94 : memref<4096xf32, #tpu.memory_space<hbm>>) target_semaphore(%arg12 : memref<!tpu.dma_semaphore, #tpu.memory_space<semaphore_mem>>)
      %lt3A = arith.constant 99 : i32
      %lt3A_95 = arith.cmpi slt, %scan3A_74, %lt3A : i32
      %convert_element_type3A_96 = arith.extui %lt3A_95 : i1 to i32
      %cond3A_97 = arith.constant 0 : i32
      %cond3A_98 = arith.cmpi ne, %convert_element_type3A_96, %cond3A_97 : i32
      scf.if %cond3A_98 {
        %add3A_124 = arith.constant 2 : i32
        %add3A_125 = arith.addi %mul3A_76, %add3A_124 : i32
        %dma_start3A_126 = arith.constant 0 : i32
        %dma_start3A_127 = tpu.memref_slice %arg2[%add3A_125, %dma_start3A_126] : memref<200x4096xi32, #tpu.memory_space<hbm>> -> memref<1x4096xi32, #tpu.memory_space<hbm>>
        %dma_start3A_128 = tpu.memref_squeeze %dma_start3A_127 : memref<1x4096xi32, #tpu.memory_space<hbm>> -> memref<4096xi32, #tpu.memory_space<hbm>>
        %dma_start3A_129 = arith.constant 0 : i32
        %dma_start3A_130 = tpu.memref_slice %arg2[%add3A_125, %dma_start3A_129] : memref<200x4096xi32, #tpu.memory_space<hbm>> -> memref<1x4096xi32, #tpu.memory_space<hbm>>
        %dma_start3A_131 = tpu.memref_squeeze %dma_start3A_130 : memref<1x4096xi32, #tpu.memory_space<hbm>> -> memref<4096xi32, #tpu.memory_space<hbm>>
        tpu.enqueue_dma source(%dma_start3A_131 : memref<4096xi32, #tpu.memory_space<hbm>>) target(%arg6 : memref<4096xi32, #tpu.memory_space<vmem>>) target_semaphore(%arg10 : memref<!tpu.dma_semaphore, #tpu.memory_space<semaphore_mem>>)
      } else {
      }
      %ge3A_99 = arith.constant 1 : i32
      %ge3A_100 = arith.cmpi sge, %scan3A_74, %ge3A_99 : i32
      %convert_element_type3A_101 = arith.extui %ge3A_100 : i1 to i32
      %cond3A_102 = arith.constant 0 : i32
      %cond3A_103 = arith.cmpi ne, %convert_element_type3A_101, %cond3A_102 : i32
      scf.if %cond3A_103 {
        %sub3A = arith.constant 2 : i32
        %sub3A_124 = arith.subi %add3A_78, %sub3A : i32
        %dma_wait3A_125 = arith.constant 0 : i32
        %dma_wait3A_126 = tpu.memref_slice %arg4[%sub3A_124, %add3A_39, %dma_wait3A_125] : memref<200x64x4096xf32, #tpu.memory_space<hbm>> -> memref<1x1x4096xf32, #tpu.memory_space<hbm>>
        %dma_wait3A_127 = tpu.memref_squeeze %dma_wait3A_126 : memref<1x1x4096xf32, #tpu.memory_space<hbm>> -> memref<4096xf32, #tpu.memory_space<hbm>>
        %dma_wait3A_128 = arith.constant 0 : i32
        %dma_wait3A_129 = tpu.memref_slice %arg4[%sub3A_124, %add3A_39, %dma_wait3A_128] : memref<200x64x4096xf32, #tpu.memory_space<hbm>> -> memref<1x1x4096xf32, #tpu.memory_space<hbm>>
        %dma_wait3A_130 = tpu.memref_squeeze %dma_wait3A_129 : memref<1x1x4096xf32, #tpu.memory_space<hbm>> -> memref<4096xf32, #tpu.memory_space<hbm>>
        tpu.wait_dma2 semaphore(%arg13 : memref<!tpu.dma_semaphore, #tpu.memory_space<semaphore_mem>>) src(%arg9 : memref<4096xf32, #tpu.memory_space<vmem>>) dst(%dma_wait3A_130 : memref<4096xf32, #tpu.memory_space<hbm>>)
      } else {
      }
      %dma_wait3A_104 = arith.constant 0 : i32
      %dma_wait3A_105 = tpu.memref_slice %arg2[%add3A_78, %dma_wait3A_104] : memref<200x4096xi32, #tpu.memory_space<hbm>> -> memref<1x4096xi32, #tpu.memory_space<hbm>>
      %dma_wait3A_106 = tpu.memref_squeeze %dma_wait3A_105 : memref<1x4096xi32, #tpu.memory_space<hbm>> -> memref<4096xi32, #tpu.memory_space<hbm>>
      %dma_wait3A_107 = arith.constant 0 : i32
      %dma_wait3A_108 = tpu.memref_slice %arg2[%add3A_78, %dma_wait3A_107] : memref<200x4096xi32, #tpu.memory_space<hbm>> -> memref<1x4096xi32, #tpu.memory_space<hbm>>
      %dma_wait3A_109 = tpu.memref_squeeze %dma_wait3A_108 : memref<1x4096xi32, #tpu.memory_space<hbm>> -> memref<4096xi32, #tpu.memory_space<hbm>>
      tpu.wait_dma2 semaphore(%arg11 : memref<!tpu.dma_semaphore, #tpu.memory_space<semaphore_mem>>) src(%dma_wait3A_109 : memref<4096xi32, #tpu.memory_space<hbm>>) dst(%arg7 : memref<4096xi32, #tpu.memory_space<vmem>>)
      %parallel_loop3A_110 = arith.constant 0 : i32
      %parallel_loop3A_111 = arith.constant 256 : i32
      %parallel_loop3A_112 = arith.constant 1 : i32
      scf.for %parallel_loop3A_124 = %parallel_loop3A_110 to %parallel_loop3A_111 step %parallel_loop3A_112  : i32 {
        %parallel_loop3A_125 = arith.constant 16 : i32
        %parallel_loop3A_126 = arith.muli %parallel_loop3A_124, %parallel_loop3A_125 : i32
        %parallel_loop3A_127 = arith.index_cast %parallel_loop3A_126 : i32 to index
        %parallel_loop3A_128 = tpu.vector_load %arg7[%parallel_loop3A_127] {strides = array<i32>} : memref<4096xi32, #tpu.memory_space<vmem>>, vector<16xi32>,
        %parallel_loop3A_129 = tpu.vector_load_idx %arg5[%parallel_loop3A_128] : memref<100000xf32, #tpu.memory_space<vmem>>[vector<16xi32>], vector<16xf32>,
        %parallel_loop3A_130 = arith.constant 16 : i32
        %parallel_loop3A_131 = arith.muli %parallel_loop3A_124, %parallel_loop3A_130 : i32
        %parallel_loop3A_132 = arith.index_cast %parallel_loop3A_131 : i32 to index
        %parallel_loop3A_133 = tpu.vector_load %arg9[%parallel_loop3A_132] {strides = array<i32>} : memref<4096xf32, #tpu.memory_space<vmem>>, vector<16xf32>,
        tpu.vector_store %arg9[%parallel_loop3A_132], %parallel_loop3A_129 {strides = array<i32>} : memref<4096xf32, #tpu.memory_space<vmem>>, vector<16xf32>,
      } {sc.loop_unroll_factor = 16 : i64, sc.parallel_access}
      %dma_start3A_113 = arith.constant 0 : i32
      %dma_start3A_114 = tpu.memref_slice %arg4[%add3A_78, %add3A_39, %dma_start3A_113] : memref<200x64x4096xf32, #tpu.memory_space<hbm>> -> memref<1x1x4096xf32, #tpu.memory_space<hbm>>
      %dma_start3A_115 = tpu.memref_squeeze %dma_start3A_114 : memref<1x1x4096xf32, #tpu.memory_space<hbm>> -> memref<4096xf32, #tpu.memory_space<hbm>>
      %dma_start3A_116 = arith.constant 0 : i32
      %dma_start3A_117 = tpu.memref_slice %arg4[%add3A_78, %add3A_39, %dma_start3A_116] : memref<200x64x4096xf32, #tpu.memory_space<hbm>> -> memref<1x1x4096xf32, #tpu.memory_space<hbm>>
      %dma_start3A_118 = tpu.memref_squeeze %dma_start3A_117 : memref<1x1x4096xf32, #tpu.memory_space<hbm>> -> memref<4096xf32, #tpu.memory_space<hbm>>
      tpu.enqueue_dma source(%arg9 : memref<4096xf32, #tpu.memory_space<vmem>>) target(%dma_start3A_118 : memref<4096xf32, #tpu.memory_space<hbm>>) target_semaphore(%arg13 : memref<!tpu.dma_semaphore, #tpu.memory_space<semaphore_mem>>)
      %lt3A_119 = arith.constant 99 : i32
      %lt3A_120 = arith.cmpi slt, %scan3A_74, %lt3A_119 : i32
      %convert_element_type3A_121 = arith.extui %lt3A_120 : i1 to i32
      %cond3A_122 = arith.constant 0 : i32
      %cond3A_123 = arith.cmpi ne, %convert_element_type3A_121, %cond3A_122 : i32
      scf.if %cond3A_123 {
        %add3A_124 = arith.constant 2 : i32
        %add3A_125 = arith.addi %add3A_78, %add3A_124 : i32
        %dma_start3A_126 = arith.constant 0 : i32
        %dma_start3A_127 = tpu.memref_slice %arg2[%add3A_125, %dma_start3A_126] : memref<200x4096xi32, #tpu.memory_space<hbm>> -> memref<1x4096xi32, #tpu.memory_space<hbm>>
        %dma_start3A_128 = tpu.memref_squeeze %dma_start3A_127 : memref<1x4096xi32, #tpu.memory_space<hbm>> -> memref<4096xi32, #tpu.memory_space<hbm>>
        %dma_start3A_129 = arith.constant 0 : i32
        %dma_start3A_130 = tpu.memref_slice %arg2[%add3A_125, %dma_start3A_129] : memref<200x4096xi32, #tpu.memory_space<hbm>> -> memref<1x4096xi32, #tpu.memory_space<hbm>>
        %dma_start3A_131 = tpu.memref_squeeze %dma_start3A_130 : memref<1x4096xi32, #tpu.memory_space<hbm>> -> memref<4096xi32, #tpu.memory_space<hbm>>
        tpu.enqueue_dma source(%dma_start3A_131 : memref<4096xi32, #tpu.memory_space<hbm>>) target(%arg7 : memref<4096xi32, #tpu.memory_space<vmem>>) target_semaphore(%arg11 : memref<!tpu.dma_semaphore, #tpu.memory_space<semaphore_mem>>)
      } else {
      }
    }
    %scan3A_59 = arith.constant 100 : i32
    %dma_wait3A_60 = arith.constant 198 : i32
    %dma_wait3A_61 = arith.constant 0 : i32
    %dma_wait3A_62 = tpu.memref_slice %arg4[%dma_wait3A_60, %add3A_39, %dma_wait3A_61] : memref<200x64x4096xf32, #tpu.memory_space<hbm>> -> memref<1x1x4096xf32, #tpu.memory_space<hbm>>
    %dma_wait3A_63 = tpu.memref_squeeze %dma_wait3A_62 : memref<1x1x4096xf32, #tpu.memory_space<hbm>> -> memref<4096xf32, #tpu.memory_space<hbm>>
    %dma_wait3A_64 = arith.constant 0 : i32
    %dma_wait3A_65 = tpu.memref_slice %arg4[%dma_wait3A_60, %add3A_39, %dma_wait3A_64] : memref<200x64x4096xf32, #tpu.memory_space<hbm>> -> memref<1x1x4096xf32, #tpu.memory_space<hbm>>
    %dma_wait3A_66 = tpu.memref_squeeze %dma_wait3A_65 : memref<1x1x4096xf32, #tpu.memory_space<hbm>> -> memref<4096xf32, #tpu.memory_space<hbm>>
    tpu.wait_dma2 semaphore(%arg12 : memref<!tpu.dma_semaphore, #tpu.memory_space<semaphore_mem>>) src(%arg8 : memref<4096xf32, #tpu.memory_space<vmem>>) dst(%dma_wait3A_66 : memref<4096xf32, #tpu.memory_space<hbm>>)
    %dma_wait3A_67 = arith.constant 199 : i32
    %dma_wait3A_68 = arith.constant 0 : i32
    %dma_wait3A_69 = tpu.memref_slice %arg4[%dma_wait3A_67, %add3A_39, %dma_wait3A_68] : memref<200x64x4096xf32, #tpu.memory_space<hbm>> -> memref<1x1x4096xf32, #tpu.memory_space<hbm>>
    %dma_wait3A_70 = tpu.memref_squeeze %dma_wait3A_69 : memref<1x1x4096xf32, #tpu.memory_space<hbm>> -> memref<4096xf32, #tpu.memory_space<hbm>>
    %dma_wait3A_71 = arith.constant 0 : i32
    %dma_wait3A_72 = tpu.memref_slice %arg4[%dma_wait3A_67, %add3A_39, %dma_wait3A_71] : memref<200x64x4096xf32, #tpu.memory_space<hbm>> -> memref<1x1x4096xf32, #tpu.memory_space<hbm>>
    %dma_wait3A_73 = tpu.memref_squeeze %dma_wait3A_72 : memref<1x1x4096xf32, #tpu.memory_space<hbm>> -> memref<4096xf32, #tpu.memory_space<hbm>>
    tpu.wait_dma2 semaphore(%arg13 : memref<!tpu.dma_semaphore, #tpu.memory_space<semaphore_mem>>) src(%arg9 : memref<4096xf32, #tpu.memory_space<vmem>>) dst(%dma_wait3A_73 : memref<4096xf32, #tpu.memory_space<hbm>>)
    return
  }
}

</mosaic_0001>

<sc_bundles>
// kernel: kernel.3.cloned.1.call-start
scs
__scs_entry_jumppad:
0x0: {  	(pc) =	sbr.rel $0x88, $3  }
0x1: {  	(tag) =	ssettag $0x0;
	lr =	simm.s32 $0x1  }
0x2: {  	[smem:$0x3F9F] =	sst lr;
	_ =	strace $0xD0000000  }
0x3: {  	_ = 	snop  }
0x4: {  	_ = 	snop  }
0x5: {  	_ = 	snop  }
0x6: {  	_ = 	snop  }
0x7: {  	_ = 	snop  }
__scs_overlays_trampoline_lowered:
0x8: {  	[smem:$0x3FAE] =	sst s0  }
0x9: {  	[smem:$0x3FAF] =	sst s1  }
0xa: {  	[smem:$0x3FB0] =	sst s2  }
0xb: {  	[smem:$0x3FB1] =	sst s3  }
0xc: {  	[smem:$0x3FB2] =	sst s4  }
0xd: {  	[smem:$0x3FB3] =	sst s5  }
0xe: {  	[smem:$0x3FB4] =	sst s6  }
0xf: {  	[smem:$0x3FB5] =	sst s7  }
0x10: {  	[smem:$0x3FB6] =	sst s8  }
0x11: {  	[smem:$0x3FB7] =	sst s9;
	s0 =	simm.s32 @!p0 $0x0  }
0x12: {  	s1 =	sld [smem:$0x3F9D];
	s0 =	simm.s32 @p0 $0x1  }
0x13: {  	[smem:$0x3FB8] =	sst s0;
	s0 =	simm.s32 @!p1 $0x0  }
0x14: {  	s2 =	sld [smem:$0x3F9C];
	s0 =	simm.s32 @p1 $0x1  }
0x15: {  	[smem:$0x3FB9] =	sst s0;
	s0 =	simm.s32 @!p2 $0x0  }
0x16: {  	s3 =	sld [smem:$0x3FDB];
	s0 =	simm.s32 @p2 $0x1  }
0x17: {  	s4 =	simm.s32 $0x1BF5;
	[smem:$0x3FBB] =	sst s0  }
0x18: {  	s0 =	sld [smem:$0x3F9E];
	_ =	swait.ge [sflag:s4], $0x0  }
0x19: {  	s7 =	sld [smem:$0x3F9F]  }
0x1a: {  	s8 =	sadd.s32 $0xFFFFE003, lr  }
0x1b: {  	s9 =	sadd.s32 $0xFFFFFEF7, lr;
	s5 =	simm.s32 $0xFFFFFFFF;
	p2 =	slt.u32 s8, $0xFFFFF086  }
0x1c: {  	p1 =	slt.u32 s9, $0xF7A;
	s5 =	simm.s32 @!p2 $0x0  }
0x1d: {  	s5 =	simm.s32 @p1 $0x1;
	p0 =	seq.s32 s7, s2  }
0x1e: {  	s7 =	smul.u32 @!p0 $0xF7A, s2;
	p2 =	seq.s32 @!p0 s5, $0x0  }
0x1f: {  	s9 =	smul.u32 $0xF7A, s1;
	s8 =	simm.s32 @!p0 $0x1BF5;
	p2 =	por !p2, p0  }
0x20: {  	[sflag:s8] =	ssyncset.s32 @!p0 $0xFFFFF086;
	s6 =	sadd.s32 @!p0 s3, s7;
	s7 =	simm.s32 @!p0 $0x108  }
0x21: {  	s3 =	sadd.s32 s3, s9;
	s6 =	sadd.s32 @!p0 $0x88, s6;
	s7 =	simm.s32 @p2 $0x1082  }
0x22: {  	[simem:s7], [sflag:s8] =	dma.local @!p0 [hbm:s6], $0xF7A  }
0x23: {  	s9 =	sor.u32 $0xD0000000, s2;
	s6 =	simm.s32 $0x108;
	_ =	swait.ge @!p0 [sflag:s8], $0x0  }
0x24: {  	s3 =	sadd.s32 $0x88, s3;
	s6 =	simm.s32 @!p1 $0x1082;
	[sflag:s4] =	ssyncset.s32 $0xFFFFF086  }
0x25: {  	[simem:s6], [sflag:s4] =	dma.local [hbm:s3], $0xF7A  }
0x26: {  	[smem:$0x3F9F] =	sst s1;
	(tag) =	ssettag s2;
	_ =	strace s9  }
0x27: {  	s1 =	sld [smem:$0x3FAF]  }
0x28: {  	s2 =	sld [smem:$0x3FB0]  }
0x29: {  	s4 =	sld [smem:$0x3FB2]  }
0x2a: {  	p0 =	seq.s32 s5, $0x0;
	s5 =	sld [smem:$0x3FB3]  }
0x2b: {  	s6 =	sld [smem:$0x3FB4]  }
0x2c: {  	s7 =	sld [smem:$0x3FB5]  }
0x2d: {  	s3 =	simm.s32 $0x108;
	s8 =	sld [smem:$0x3FB6]  }
0x2e: {  	s3 =	simm.s32 @!p0 $0x1082;
	s9 =	sld [smem:$0x3FB7]  }
0x2f: {  	lr =	sadd.s32 s0, s3;
	s0 =	sld [smem:$0x3FAE]  }
0x30: {  	s3 =	sld [smem:$0x3FB1]  }
0x31: {  	[smem:$0x3FBA] =	sst s10  }
0x32: {  	s10 =	sld [smem:$0x3FB8];
	_ =	sdelay $0x3  }
0x33: {  	p0 =	seq.s32 s10, $0x1;
	s10 =	sld [smem:$0x3FBA];
	_ =	sdelay $0x3  }
0x34: {  	[smem:$0x3FBA] =	sst s10  }
0x35: {  	s10 =	sld [smem:$0x3FB9];
	_ =	sdelay $0x3  }
0x36: {  	p1 =	seq.s32 s10, $0x1;
	s10 =	sld [smem:$0x3FBA];
	_ =	sdelay $0x3  }
0x37: {  	[smem:$0x3FBA] =	sst s10  }
0x38: {  	s10 =	sld [smem:$0x3FBB]  }
0x39: {  	_ = 	snop;
	(pc) =	sbr.ind lr, $3  }
0x3a: {  	_ = 	snop  }
0x3b: {  	_ = 	snop  }
0x3c: {  	p2 =	seq.s32 s10, $0x1;
	s10 =	sld [smem:$0x3FBA]  }
0x3d: {  	_ =	shalt  }
0x3e: {  	_ =	shalt  }
0x3f: {  	_ =	shalt  }
0x40: {  	_ =	shalt  }
0x41: {  	_ =	shalt  }
0x42: {  	_ =	shalt  }
0x43: {  	_ =	shalt  }
0x44: {  	_ =	shalt  }
0x45: {  	_ =	shalt  }
0x46: {  	_ =	shalt  }
0x47: {  	_ =	shalt  }
0x48: {  	_ =	shalt  }
0x49: {  	_ =	shalt  }
0x4a: {  	_ =	shalt  }
0x4b: {  	_ =	shalt  }
0x4c: {  	_ =	shalt  }
0x4d: {  	_ =	shalt  }
0x4e: {  	_ =	shalt  }
0x4f: {  	_ =	shalt  }
0x50: {  	_ =	shalt  }
0x51: {  	_ =	shalt  }
0x52: {  	_ =	shalt  }
0x53: {  	_ =	shalt  }
0x54: {  	_ =	shalt  }
0x55: {  	_ =	shalt  }
0x56: {  	_ =	shalt  }
0x57: {  	_ =	shalt  }
0x58: {  	_ =	shalt  }
0x59: {  	_ =	shalt  }
0x5a: {  	_ =	shalt  }
0x5b: {  	_ =	shalt  }
0x5c: {  	_ =	shalt  }
0x5d: {  	_ =	shalt  }
0x5e: {  	_ =	shalt  }
0x5f: {  	_ =	shalt  }
0x60: {  	_ =	shalt  }
0x61: {  	_ =	shalt  }
0x62: {  	_ =	shalt  }
0x63: {  	_ =	shalt  }
0x64: {  	_ =	shalt  }
0x65: {  	_ =	shalt  }
0x66: {  	_ =	shalt  }
0x67: {  	_ =	shalt  }
0x68: {  	_ =	shalt  }
0x69: {  	_ =	shalt  }
0x6a: {  	_ =	shalt  }
0x6b: {  	_ =	shalt  }
0x6c: {  	_ =	shalt  }
0x6d: {  	_ =	shalt  }
0x6e: {  	_ =	shalt  }
0x6f: {  	_ =	shalt  }
0x70: {  	_ =	shalt  }
0x71: {  	_ =	shalt  }
0x72: {  	_ =	shalt  }
0x73: {  	_ =	shalt  }
0x74: {  	_ =	shalt  }
0x75: {  	_ =	shalt  }
0x76: {  	_ =	shalt  }
0x77: {  	_ =	shalt  }
0x78: {  	_ =	shalt  }
0x79: {  	_ =	shalt  }
0x7a: {  	_ =	shalt  }
0x7b: {  	_ =	shalt  }
0x7c: {  	_ =	shalt  }
0x7d: {  	_ =	shalt  }
0x7e: {  	_ =	shalt  }
0x7f: {  	_ =	shalt  }
0x80: {  	_ =	shalt  }
0x81: {  	_ =	shalt  }
0x82: {  	_ =	shalt  }
0x83: {  	_ =	shalt  }
0x84: {  	_ =	shalt  }
0x85: {  	_ =	shalt  }
0x86: {  	_ =	shalt  }
0x87: {  	_ =	shalt  }
.Lfunc_end0:
.L_simem_size_0:
called_computation_lowered:
.L_overlay_start_0:
0x88: {  	s2 =	sld [smem:$0x3FD9]  }
0x89: {  	s3 =	sld [smem:$0x3FFE];
	_ =	sdelay $0x1  }
0x8a: {  	s1 =	srdreg.scid  }
0x8b: {  	s0 =	sand.u32 $0x1, s1  }
0x8c: {  	s17 =	sshll.u32 s0, $0xA;
	s2 =	sadd.s32 s3, s2  }
0x8d: {  	s2 =	sadd.s32 s2, s17  }
0x8e: {  	[smem:$0x3FC6] =	sst s2  }
0x8f: {  	_ = 	snop  }
0x90: {  	s2 =	sld [smem:$0x3FD0];
	(tm) =	ssettm $0x1  }
0x91: {  	s18 =	sld [smem:$0x3FFB];
	_ =	sdelay $0x3  }
0x92: {  	_ =	strace s18  }
0x93: {  	s3 =	sld [smem:$0x3FFC];
	_ =	sdelay $0x3  }
0x94: {  	_ =	strace s3  }
0x95: {  	s3 =	sld [smem:$0x3FFD];
	_ =	sdelay $0x3  }
0x96: {  	_ =	strace s3  }
0x97: {  	_ =	strace $0x8FFFFFFF  }
0x98: {  	s19 =	sld [smem:$0x3FDB];
	_ =	sdelay $0x1  }
0x99: {  	s4 =	simm.s32 $_scs_section_size  }
0x9a: {  	s5 =	simm.s32 $_size__tile_overlayer_lowered;
	s6 =	simm.s32 $_tile_overlayer_lowered  }
0x9b: {  	s22 =	simm.s32 $0x1BFF;
	s21 =	sshll.u32 s6, $0x1;
	s3 =	sadd.s32 s4, s19  }
0x9c: {  	s7 =	simm.s32 $0x0;
	s20 =	sshll.u32 s5, $0x1;
	s5 =	sadd.s32 s21, s3  }
0x9d: {  	[timem:s7], [sflag:s22] =	dma.local [hbm:s5], s20  }
0x9e: {  	_ =	swait.ge [sflag:s22], s20  }
0x9f: {  	s4 =	ssub.s32 $0x0, s20;
	[sflag:s22] =	ssyncset.done $0x0  }
0xa0: {  	[sflag:s22] =	ssyncadd.s32 s4;
	_ =	sdelay $0x1  }
0xa1: {  	s23 =	simm.s32 $0x1B8B  }
0xa2: {  	_ =	swait.ge [sflag:s23], $0x1  }
0xa3: {  	[sflag:s23] =	ssyncset.done $0x0  }
0xa4: {  	s25 =	simm.s32 $0x1B8E;
	s24 =	sld [smem:$0x3FFE];
	[sflag:s23] =	ssyncadd.s32 $0xFFFFFFFF  }
0xa5: {  	s26 =	simm.s32 $execute0_lowered;
	[smem:$0x3FD2] =	sst s25  }
0xa6: {  	s5 =	sshll.u32 s26, $0x1;
	_ =	strace $0x80000046;
	[dreg:$0x1] =	wrdreg $0xFFFFFFFF  }
0xa7: {  	s28 =	simm.s32 $_size_execute0_lowered;
	s3 =	sadd.s32 s3, s5;
	[dreg:$0x0] =	wrdreg $0x0  }
0xa8: {  	s5 =	sshll.u32 s28, $0x1;
	[dreg:$0x2] =	wrdreg s3  }
0xa9: {  	[dreg:$0x3] =	wrdreg s5  }
0xaa: {  	[dreg:$0x4] =	wrdreg $0xC0  }
0xab: {  	_ =	task [dreg:s7], $0x5FFFF  }
0xac: {  	[dreg:$0x1] =	wrdreg $0xFFFFFFFF  }
0xad: {  	[dreg:$0x0] =	wrdreg $0x60  }
0xae: {  	[dreg:$0x2] =	wrdreg s24  }
0xaf: {  	[dreg:$0x3] =	wrdreg s2  }
0xb0: {  	[dreg:$0x4] =	wrdreg $0x9  }
0xb1: {  	_ =	task.clear_ibuf [dreg:s7], $0x5FFFF;
	_ =	strace $0x90000046  }
0xb2: {  	s29 =	simm.s32 $0x9;
	_ =	strace $0x80000048  }
0xb3: {  	_ =	swait.ge [sflag:s29], $0x1  }
0xb4: {  	[sflag:s29] =	ssyncadd.s32 $0xFFFFFFFF  }
0xb5: {  	_ =	strace $0x90000048  }
0xb6: {  	_ =	sfence  }
0xb7: {  	s30 =	sld [smem:$0x0];
	_ =	sdelay $0x2  }
0xb8: {  	s31 =	sshll.u32 s1, $0xD;
	s1 =	sshrl.u32 s1, $0x2  }
0xb9: {  	s3 =	sand.u32 $0x4000, s31;
	s1 =	sadd.s32 s1, s30  }
0xba: {  	s0 =	sor.u32 s3, s0;
	s1 =	sshll.u32 s1, $0x11  }
0xbb: {  	s0 =	sor.u32 s1, s0  }
0xbc: {  	s0 =	sadd.s32 $0x8F2B, s0  }
0xbd: {  	[sflag:s0] =	ssyncadd.remote.s32 $0x1  }
0xbe: {  	_ =	sfence.sel $0xFFFF  }
0xbf: {  	[dreg:$0x0] =	wrdreg $0xFFFFFFFF;
	(pc) =	sbr.abs _section_cstart, $3  }
0xc0: {  	[dreg:$0x1] =	wrdreg $0xFFFFFFFF  }
0xc1: {  	_ =	task.clear_ibuf [dreg:s7], $0x2FFFF;
	_ =	strace $0x9FFFFFFF  }
0xc2: {  	(tm) =	ssettm $0x7FFFFFFF  }
0xc3: {  	_ =	shalt  }
tec
execute0_lowered:
.L_overlay_start_1:
0x0: {  	(tag) =	ssettag $0x1  }
0x1: {  	s10 =	rddreg [dreg:$0x0]  }
0x2: {  	s11 =	rddreg [dreg:$0x1]  }
0x3: {  	s0 =	rddreg [dreg:$0x2];
	s3 =	srdreg.scid  }
0x4: {  	s2 =	simm.s32 $0x0;
	s1 =	stileid.u32;
	s15 =	simm.s32 $0x186A0  }
0x5: {  	s16 =	simm.s32 $0x196A0;
	s17 =	simm.s32 $0x1;
	s18 =	simm.s32 $0x1A6A0  }
0x6: {  	s19 =	simm.s32 $0x2;
	s20 =	simm.s32 $0x1B6A0;
	s21 =	simm.s32 $0x3  }
0x7: {  	s22 =	simm.s32 $0x4;
	s23 =	simm.s32 $0x0;
	s4 =	sand.u32 $0x1, s3  }
0x8: {  	[smem:$0x7FF] =	sst s2;
	s30 =	sshll.u32 s1, $0x2;
	s5 =	sshll.u32 s4, $0x1  }
0x9: {  	s3 =	sadd.s32 $0x400, s10;
	s9 =	sadd.s32 $0x21400, s10;
	s7 =	sor.u32 s5, s30  }
0xa: {  	_ =	strace $0x80000047;
	s31 =	ssub.s32 $0x2, s4;
	s6 =	smul.u32 $0x30D4, s7  }
.Ltmp0:
0xb: {  	s4 =	sadd.s32 $0x19400, s10;
	s8 =	sshrl.u32 s31, $0x1;
	(pc) =	sbr.rel .LBB2_1-.Ltmp0, $4  }
0xc: {  	s12 =	sor.u32 $0x1, s7;
	s13 =	ssub.s32 s31, s8;
	s7 =	sshll.u32 s7, $0x9  }
0xd: {  	s8 =	sadd.s32 $0x800, s10;
	s14 =	smul.u32 $0x30D4, s12;
	s12 =	sshll.u32 s12, $0x9  }
0xe: {  	s13 =	smax.u32 s13, $0x1;
	s5 =	sadd.s32 s11, s6;
	s6 =	sadd.s32 $0x600, s10  }
0xf: {  	s10 =	sadd.s32 $0xA00, s10;
	s11 =	sadd.s32 s11, s14;
	s14 =	simm.s32 $0x5  }
.LBB2_15:
0x10: {  	s23 =	sadd.s32 $0x1, s23  }
0x11: {  	_ =	swait.ge [sflag:s21], $0x1000;
	p0 =	sne.s32 s23, s13  }
.Ltmp1:
0x12: {  	[sflag:s21] =	ssyncset.done $0x0;
	(pc) =	sbr.rel @!p0 .LBB2_16-.Ltmp1, $4  }
0x13: {  	[sflag:s21] =	ssyncadd.s32 $0xFFFFF000  }
0x14: {  	_ =	swait.ge [sflag:s22], $0x1000  }
0x15: {  	[sflag:s22] =	ssyncset.done $0x0  }
0x16: {  	[sflag:s22] =	ssyncadd.s32 $0xFFFFF000  }
.LBB2_1:
0x17: {  	[tilespmem:s2], [sflag:$0x5] =	stream.linear.gather [hbm4b:s5+s2], $0x186A0, $0x38;
	[tilespmem:$0x1C6A0] =	vst v63  }
0x18: {  	_ =	swait.ge [sflag:s14], $0x186A0  }
0x19: {  	[sflag:s14] =	ssyncset.done $0x0  }
0x1a: {  	[sflag:s14] =	ssyncadd.s32 $0xFFFE7960  }
0x1b: {  	[tilespmem:s15], [sflag:$0x1] =	stream.linear.gather [hbm4b:s3+s2], $0x1000, $0x38;
	[tilespmem:$0x1C6A0] =	vst v63  }
0x1c: {  	s24 =	simm.s32 $0x0  }
0x1d: {  	[tilespmem:s16], [sflag:$0x2] =	stream.linear.gather [hbm4b:s6+s2], $0x1000, $0x38;
	[tilespmem:$0x1C6A0] =	vst v63  }
.LBB2_2:
0x1e: {  	p0 =	seq.s32 s24, $0x0  }
0x1f: {  	s25 =	simm.s32 @!p0 $0x3  }
0x20: {  	_ =	swait.ge @!p0 [sflag:s25], $0x1000  }
0x21: {  	[sflag:s25] =	ssyncset.done @!p0 $0x0  }
0x22: {  	[sflag:s25] =	ssyncadd.s32 @!p0 $0xFFFFF000  }
0x23: {  	_ =	swait.ge [sflag:s17], $0x1000  }
0x24: {  	[sflag:s17] =	ssyncset.done $0x0  }
0x25: {  	s31 =	simm.s32 $0x18720;
	[sflag:s17] =	ssyncadd.s32 $0xFFFFF000  }
0x26: {  	v0 =	vld [tilespmem:s31+$0x70]  }
0x27: {  	v1 =	vld [tilespmem:s31+$0xFFFFFF90]  }
0x28: {  	v2 =	vld [tilespmem:s31+$0xFFFFFFA0]  }
0x29: {  	v3 =	vld [tilespmem:s31+$0xFFFFFFB0]  }
0x2a: {  	v4 =	vld [tilespmem:s31+$0xFFFFFFC0]  }
0x2b: {  	v5 =	vld [tilespmem:s31+$0xFFFFFFD0]  }
0x2c: {  	v6 =	vld [tilespmem:s31+$0xFFFFFFE0]  }
0x2d: {  	v7 =	vld [tilespmem:s31+$0xFFFFFFF0]  }
0x2e: {  	v8 =	vld [tilespmem:s31+$0x0]  }
0x2f: {  	v9 =	vld [tilespmem:s31+$0x10]  }
0x30: {  	v10 =	vld [tilespmem:s31+$0x20]  }
0x31: {  	v11 =	vld [tilespmem:s31+$0x30]  }
0x32: {  	v12 =	vld [tilespmem:s31+$0x40]  }
0x33: {  	v13 =	vld [tilespmem:s31+$0x50]  }
0x34: {  	v14 =	vld [tilespmem:s31+$0x60]  }
0x35: {  	v15 =	vld [tilespmem:s31+$0xFFFFFF80]  }
0x36: {  	v0 =	vld.idx.msk [tilespmem:v0+s2+$0x0], $0xffff  }
0x37: {  	v1 =	vld.idx.msk [tilespmem:v1+s2+$0x0], $0xffff  }
0x38: {  	v2 =	vld.idx.msk [tilespmem:v2+s2+$0x0], $0xffff  }
0x39: {  	v3 =	vld.idx.msk [tilespmem:v3+s2+$0x0], $0xffff  }
0x3a: {  	v4 =	vld.idx.msk [tilespmem:v4+s2+$0x0], $0xffff  }
0x3b: {  	s28 =	simm.s32 $0x1A720;
	v5 =	vld.idx.msk [tilespmem:v5+s2+$0x0], $0xffff  }
0x3c: {  	v6 =	vld.idx.msk [tilespmem:v6+s2+$0x0], $0xffff;
	[tilespmem:s28+$0x70] =	vst v0  }
0x3d: {  	v7 =	vld.idx.msk [tilespmem:v7+s2+$0x0], $0xffff;
	[tilespmem:s28+$0xFFFFFF90] =	vst v1  }
0x3e: {  	v15 =	vld.idx.msk [tilespmem:v15+s2+$0x0], $0xffff;
	[tilespmem:s28+$0xFFFFFFA0] =	vst v2  }
0x3f: {  	v8 =	vld.idx.msk [tilespmem:v8+s2+$0x0], $0xffff;
	[tilespmem:s28+$0xFFFFFFB0] =	vst v3  }
0x40: {  	[tilespmem:s28+$0xFFFFFFC0] =	vst v4;
	v0 =	vld.idx.msk [tilespmem:v9+s2+$0x0], $0xffff  }
0x41: {  	[tilespmem:s28+$0xFFFFFFD0] =	vst v5;
	v1 =	vld.idx.msk [tilespmem:v10+s2+$0x0], $0xffff  }
0x42: {  	[tilespmem:s28+$0xFFFFFFE0] =	vst v6;
	v2 =	vld.idx.msk [tilespmem:v11+s2+$0x0], $0xffff  }
0x43: {  	[tilespmem:s28+$0xFFFFFFF0] =	vst v7;
	v3 =	vld.idx.msk [tilespmem:v12+s2+$0x0], $0xffff  }
0x44: {  	[tilespmem:s28+$0xFFFFFF80] =	vst v15;
	v4 =	vld.idx.msk [tilespmem:v13+s2+$0x0], $0xffff  }
0x45: {  	s26 =	simm.s32 $0x0;
	s29 =	simm.s32 $0x18820;
	s25 =	sshll.u32 s24, $0xA;
	[tilespmem:s28+$0x0] =	vst v8;
	v5 =	vld.idx.msk [tilespmem:v14+s2+$0x0], $0xffff  }
.LBB2_3:
0x46: {  	v6 =	vld [tilespmem:s29+$0x70];
	s26 =	sadd.s32 $0x10, s26;
	[tilespmem:s28+$0x10] =	vst v0  }
0x47: {  	v0 =	vld [tilespmem:s29+$0xFFFFFF90];
	p0 =	slt.u32 s26, $0xF0;
	[tilespmem:s28+$0x20] =	vst v1  }
0x48: {  	v1 =	vld [tilespmem:s29+$0xFFFFFFA0];
	[tilespmem:s28+$0x30] =	vst v2  }
0x49: {  	v2 =	vld [tilespmem:s29+$0xFFFFFFB0];
	[tilespmem:s28+$0x40] =	vst v3  }
0x4a: {  	v3 =	vld [tilespmem:s29+$0xFFFFFFC0];
	[tilespmem:s28+$0x50] =	vst v4  }
0x4b: {  	v4 =	vld [tilespmem:s29+$0xFFFFFFD0];
	[tilespmem:s28+$0x60] =	vst v5  }
0x4c: {  	v5 =	vld [tilespmem:s29+$0xFFFFFFE0]  }
0x4d: {  	v7 =	vld [tilespmem:s29+$0xFFFFFFF0]  }
0x4e: {  	v6 =	vld.idx.msk [tilespmem:v6+s2+$0x0], $0xffff  }
0x4f: {  	v8 =	vld [tilespmem:s29+$0x0]  }
0x50: {  	v9 =	vld [tilespmem:s29+$0x10]  }
0x51: {  	v10 =	vld [tilespmem:s29+$0x20]  }
0x52: {  	v11 =	vld [tilespmem:s29+$0x30]  }
0x53: {  	s28 =	sadd.s32 $0x100, s28;
	v12 =	vld [tilespmem:s29+$0x40]  }
0x54: {  	v13 =	vld [tilespmem:s29+$0x50];
	[tilespmem:s28+$0x70] =	vst v6  }
0x55: {  	v6 =	vld [tilespmem:s29+$0x60]  }
0x56: {  	v14 =	vld [tilespmem:s29+$0xFFFFFF80]  }
0x57: {  	v0 =	vld.idx.msk [tilespmem:v0+s2+$0x0], $0xffff  }
0x58: {  	v1 =	vld.idx.msk [tilespmem:v1+s2+$0x0], $0xffff  }
0x59: {  	v2 =	vld.idx.msk [tilespmem:v2+s2+$0x0], $0xffff  }
0x5a: {  	v3 =	vld.idx.msk [tilespmem:v3+s2+$0x0], $0xffff  }
0x5b: {  	v4 =	vld.idx.msk [tilespmem:v4+s2+$0x0], $0xffff  }
0x5c: {  	v5 =	vld.idx.msk [tilespmem:v5+s2+$0x0], $0xffff  }
0x5d: {  	[tilespmem:s28+$0xFFFFFF90] =	vst v0;
	v7 =	vld.idx.msk [tilespmem:v7+s2+$0x0], $0xffff  }
0x5e: {  	v14 =	vld.idx.msk [tilespmem:v14+s2+$0x0], $0xffff;
	[tilespmem:s28+$0xFFFFFFA0] =	vst v1  }
0x5f: {  	[tilespmem:s28+$0xFFFFFFB0] =	vst v2;
	v8 =	vld.idx.msk [tilespmem:v8+s2+$0x0], $0xffff  }
0x60: {  	[tilespmem:s28+$0xFFFFFFC0] =	vst v3;
	v0 =	vld.idx.msk [tilespmem:v9+s2+$0x0], $0xffff  }
.Ltmp2:
0x61: {  	[tilespmem:s28+$0xFFFFFFD0] =	vst v4;
	v1 =	vld.idx.msk [tilespmem:v10+s2+$0x0], $0xffff;
	(pc) =	sbr.rel @p0 .LBB2_3-.Ltmp2, $4  }
0x62: {  	[tilespmem:s28+$0xFFFFFFE0] =	vst v5;
	v2 =	vld.idx.msk [tilespmem:v11+s2+$0x0], $0xffff  }
0x63: {  	[tilespmem:s28+$0xFFFFFFF0] =	vst v7;
	v3 =	vld.idx.msk [tilespmem:v12+s2+$0x0], $0xffff  }
0x64: {  	[tilespmem:s28+$0xFFFFFF80] =	vst v14;
	v4 =	vld.idx.msk [tilespmem:v13+s2+$0x0], $0xffff  }
0x65: {  	s29 =	sadd.s32 $0x100, s29;
	[tilespmem:s28+$0x0] =	vst v8;
	v5 =	vld.idx.msk [tilespmem:v6+s2+$0x0], $0xffff  }
0x66: {  	[tilespmem:s28+$0x10] =	vst v0  }
0x67: {  	[tilespmem:s28+$0x20] =	vst v1  }
0x68: {  	[tilespmem:s28+$0x30] =	vst v2  }
0x69: {  	s26 =	sshll.u32 s24, $0x10;
	[tilespmem:s28+$0x40] =	vst v3  }
0x6a: {  	p0 =	seq.s32 s24, $0x63;
	s26 =	sor.u32 s7, s26;
	[tilespmem:s28+$0x50] =	vst v4  }
0x6b: {  	p1 =	seq.s32 @!p0 s24, $0x0;
	s29 =	simm.s32 @!p0 $0x0;
	[tilespmem:s28+$0x60] =	vst v5;
	s28 =	sadd.s32 s4, s26  }
0x6c: {  	[hbm4b:s28+s2] =	stream.linear.scatter [tilespmem:s18], [sflag:$0x3], $0x1000, $0x38;
	[tilespmem:$0x1C6A0] =	vst v63  }
0x6d: {  	s30 =	simm.s32 @!p0 $0x186A0;
	p1 =	por p0, !p1;
	s28 =	sadd.s32 @!p0 s25, s8  }
0x6e: {  	[tilespmem:s30], [sflag:$0x1] =	stream.linear.gather @!p0 [hbm4b:s28+s29], $0x1000, $0x38;
	[tilespmem:$0x1C6A0] =	vst v63  }
0x6f: {  	_ =	swait.ge @p1 [sflag:s22], $0x1000  }
0x70: {  	[sflag:s22] =	ssyncset.done @p1 $0x0  }
0x71: {  	[sflag:s22] =	ssyncadd.s32 @p1 $0xFFFFF000  }
0x72: {  	_ =	swait.ge [sflag:s19], $0x1000  }
0x73: {  	[sflag:s19] =	ssyncset.done $0x0  }
0x74: {  	s28 =	simm.s32 $0x19720;
	[sflag:s19] =	ssyncadd.s32 $0xFFFFF000  }
0x75: {  	v0 =	vld [tilespmem:s28+$0x70]  }
0x76: {  	v1 =	vld [tilespmem:s28+$0xFFFFFF90]  }
0x77: {  	v2 =	vld [tilespmem:s28+$0xFFFFFFA0]  }
0x78: {  	v3 =	vld [tilespmem:s28+$0xFFFFFFB0]  }
0x79: {  	v4 =	vld [tilespmem:s28+$0xFFFFFFC0]  }
0x7a: {  	v5 =	vld [tilespmem:s28+$0xFFFFFFD0]  }
0x7b: {  	v6 =	vld [tilespmem:s28+$0xFFFFFFE0]  }
0x7c: {  	v7 =	vld [tilespmem:s28+$0xFFFFFFF0]  }
0x7d: {  	v8 =	vld [tilespmem:s28+$0x0]  }
0x7e: {  	v9 =	vld [tilespmem:s28+$0x10]  }
0x7f: {  	v10 =	vld [tilespmem:s28+$0x20]  }
0x80: {  	v11 =	vld [tilespmem:s28+$0x30]  }
0x81: {  	v12 =	vld [tilespmem:s28+$0x40]  }
0x82: {  	v13 =	vld [tilespmem:s28+$0x50]  }
0x83: {  	v14 =	vld [tilespmem:s28+$0x60]  }
0x84: {  	v15 =	vld [tilespmem:s28+$0xFFFFFF80]  }
0x85: {  	v0 =	vld.idx.msk [tilespmem:v0+s2+$0x0], $0xffff  }
0x86: {  	v1 =	vld.idx.msk [tilespmem:v1+s2+$0x0], $0xffff  }
0x87: {  	v2 =	vld.idx.msk [tilespmem:v2+s2+$0x0], $0xffff  }
0x88: {  	v3 =	vld.idx.msk [tilespmem:v3+s2+$0x0], $0xffff  }
0x89: {  	v4 =	vld.idx.msk [tilespmem:v4+s2+$0x0], $0xffff  }
0x8a: {  	s28 =	simm.s32 $0x1B720;
	v5 =	vld.idx.msk [tilespmem:v5+s2+$0x0], $0xffff  }
0x8b: {  	v6 =	vld.idx.msk [tilespmem:v6+s2+$0x0], $0xffff;
	[tilespmem:s28+$0x70] =	vst v0  }
0x8c: {  	v7 =	vld.idx.msk [tilespmem:v7+s2+$0x0], $0xffff;
	[tilespmem:s28+$0xFFFFFF90] =	vst v1  }
0x8d: {  	v15 =	vld.idx.msk [tilespmem:v15+s2+$0x0], $0xffff;
	[tilespmem:s28+$0xFFFFFFA0] =	vst v2  }
0x8e: {  	v8 =	vld.idx.msk [tilespmem:v8+s2+$0x0], $0xffff;
	[tilespmem:s28+$0xFFFFFFB0] =	vst v3  }
0x8f: {  	[tilespmem:s28+$0xFFFFFFC0] =	vst v4;
	v0 =	vld.idx.msk [tilespmem:v9+s2+$0x0], $0xffff  }
0x90: {  	[tilespmem:s28+$0xFFFFFFD0] =	vst v5;
	v1 =	vld.idx.msk [tilespmem:v10+s2+$0x0], $0xffff  }
0x91: {  	[tilespmem:s28+$0xFFFFFFE0] =	vst v6;
	v2 =	vld.idx.msk [tilespmem:v11+s2+$0x0], $0xffff  }
0x92: {  	[tilespmem:s28+$0xFFFFFFF0] =	vst v7;
	v3 =	vld.idx.msk [tilespmem:v12+s2+$0x0], $0xffff  }
0x93: {  	[tilespmem:s28+$0xFFFFFF80] =	vst v15;
	v4 =	vld.idx.msk [tilespmem:v13+s2+$0x0], $0xffff  }
0x94: {  	s29 =	simm.s32 $0x0;
	s30 =	simm.s32 $0x19820;
	[tilespmem:s28+$0x0] =	vst v8;
	v5 =	vld.idx.msk [tilespmem:v14+s2+$0x0], $0xffff  }
.LBB2_5:
0x95: {  	v6 =	vld [tilespmem:s30+$0x70];
	s29 =	sadd.s32 $0x10, s29;
	[tilespmem:s28+$0x10] =	vst v0  }
0x96: {  	v0 =	vld [tilespmem:s30+$0xFFFFFF90];
	p1 =	slt.u32 s29, $0xF0;
	[tilespmem:s28+$0x20] =	vst v1  }
0x97: {  	v1 =	vld [tilespmem:s30+$0xFFFFFFA0];
	[tilespmem:s28+$0x30] =	vst v2  }
0x98: {  	v2 =	vld [tilespmem:s30+$0xFFFFFFB0];
	[tilespmem:s28+$0x40] =	vst v3  }
0x99: {  	v3 =	vld [tilespmem:s30+$0xFFFFFFC0];
	[tilespmem:s28+$0x50] =	vst v4  }
0x9a: {  	v4 =	vld [tilespmem:s30+$0xFFFFFFD0];
	[tilespmem:s28+$0x60] =	vst v5  }
0x9b: {  	v5 =	vld [tilespmem:s30+$0xFFFFFFE0]  }
0x9c: {  	v7 =	vld [tilespmem:s30+$0xFFFFFFF0]  }
0x9d: {  	v6 =	vld.idx.msk [tilespmem:v6+s2+$0x0], $0xffff  }
0x9e: {  	v8 =	vld [tilespmem:s30+$0x0]  }
0x9f: {  	v9 =	vld [tilespmem:s30+$0x10]  }
0xa0: {  	v10 =	vld [tilespmem:s30+$0x20]  }
0xa1: {  	v11 =	vld [tilespmem:s30+$0x30]  }
0xa2: {  	s28 =	sadd.s32 $0x100, s28;
	v12 =	vld [tilespmem:s30+$0x40]  }
0xa3: {  	v13 =	vld [tilespmem:s30+$0x50];
	[tilespmem:s28+$0x70] =	vst v6  }
0xa4: {  	v6 =	vld [tilespmem:s30+$0x60]  }
0xa5: {  	v14 =	vld [tilespmem:s30+$0xFFFFFF80]  }
0xa6: {  	v0 =	vld.idx.msk [tilespmem:v0+s2+$0x0], $0xffff  }
0xa7: {  	v1 =	vld.idx.msk [tilespmem:v1+s2+$0x0], $0xffff  }
0xa8: {  	v2 =	vld.idx.msk [tilespmem:v2+s2+$0x0], $0xffff  }
0xa9: {  	v3 =	vld.idx.msk [tilespmem:v3+s2+$0x0], $0xffff  }
0xaa: {  	v4 =	vld.idx.msk [tilespmem:v4+s2+$0x0], $0xffff  }
0xab: {  	v5 =	vld.idx.msk [tilespmem:v5+s2+$0x0], $0xffff  }
0xac: {  	[tilespmem:s28+$0xFFFFFF90] =	vst v0;
	v7 =	vld.idx.msk [tilespmem:v7+s2+$0x0], $0xffff  }
0xad: {  	v14 =	vld.idx.msk [tilespmem:v14+s2+$0x0], $0xffff;
	[tilespmem:s28+$0xFFFFFFA0] =	vst v1  }
0xae: {  	[tilespmem:s28+$0xFFFFFFB0] =	vst v2;
	v8 =	vld.idx.msk [tilespmem:v8+s2+$0x0], $0xffff  }
0xaf: {  	[tilespmem:s28+$0xFFFFFFC0] =	vst v3;
	v0 =	vld.idx.msk [tilespmem:v9+s2+$0x0], $0xffff  }
.Ltmp3:
0xb0: {  	[tilespmem:s28+$0xFFFFFFD0] =	vst v4;
	v1 =	vld.idx.msk [tilespmem:v10+s2+$0x0], $0xffff;
	(pc) =	sbr.rel @p1 .LBB2_5-.Ltmp3, $4  }
0xb1: {  	[tilespmem:s28+$0xFFFFFFE0] =	vst v5;
	v2 =	vld.idx.msk [tilespmem:v11+s2+$0x0], $0xffff  }
0xb2: {  	[tilespmem:s28+$0xFFFFFFF0] =	vst v7;
	v3 =	vld.idx.msk [tilespmem:v12+s2+$0x0], $0xffff  }
0xb3: {  	[tilespmem:s28+$0xFFFFFF80] =	vst v14;
	v4 =	vld.idx.msk [tilespmem:v13+s2+$0x0], $0xffff  }
0xb4: {  	s30 =	sadd.s32 $0x100, s30;
	[tilespmem:s28+$0x0] =	vst v8;
	v5 =	vld.idx.msk [tilespmem:v6+s2+$0x0], $0xffff  }
0xb5: {  	[tilespmem:s28+$0x10] =	vst v0  }
0xb6: {  	[tilespmem:s28+$0x20] =	vst v1  }
.Ltmp4:
0xb7: {  	[tilespmem:s28+$0x30] =	vst v2;
	(pc) =	sbr.rel @p0 .LBB2_8-.Ltmp4, $4  }
0xb8: {  	[tilespmem:s28+$0x40] =	vst v3  }
0xb9: {  	[tilespmem:s28+$0x50] =	vst v4  }
0xba: {  	s26 =	sadd.s32 s26, s9;
	[tilespmem:s28+$0x60] =	vst v5  }
0xbb: {  	[hbm4b:s26+s2] =	stream.linear.scatter [tilespmem:s20], [sflag:$0x4], $0x1000, $0x38;
	[tilespmem:$0x1C6A0] =	vst v63  }
.Ltmp5:
0xbc: {  	(pc) =	sbr.rel .LBB2_2-.Ltmp5, $3  }
0xbd: {  	_ =	sdelay $0x1  }
0xbe: {  	s25 =	sadd.s32 s25, s10;
	s24 =	sadd.s32 $0x1, s24  }
0xbf: {  	[tilespmem:s16], [sflag:$0x2] =	stream.linear.gather [hbm4b:s25+s2], $0x1000, $0x38;
	[tilespmem:$0x1C6A0] =	vst v63  }
.LBB2_8:
0xc0: {  	_ =	swait.ge [sflag:s21], $0x1000  }
0xc1: {  	[sflag:s21] =	ssyncset.done $0x0  }
0xc2: {  	[sflag:s21] =	ssyncadd.s32 $0xFFFFF000  }
0xc3: {  	_ =	swait.ge [sflag:s22], $0x1000  }
0xc4: {  	[sflag:s22] =	ssyncset.done $0x0  }
0xc5: {  	s24 =	simm.s32 $0x0;
	[sflag:s22] =	ssyncadd.s32 $0xFFFFF000  }
0xc6: {  	[tilespmem:s24], [sflag:$0x5] =	stream.linear.gather [hbm4b:s11+s24], $0x186A0, $0x38;
	[tilespmem:$0x1C6A0] =	vst v63  }
0xc7: {  	_ =	swait.ge [sflag:s14], $0x186A0  }
0xc8: {  	[sflag:s14] =	ssyncset.done $0x0  }
0xc9: {  	[sflag:s14] =	ssyncadd.s32 $0xFFFE7960  }
0xca: {  	[tilespmem:s15], [sflag:$0x1] =	stream.linear.gather [hbm4b:s3+s24], $0x1000, $0x38;
	[tilespmem:$0x1C6A0] =	vst v63  }
0xcb: {  	_ = 	snop  }
0xcc: {  	[tilespmem:s16], [sflag:$0x2] =	stream.linear.gather [hbm4b:s6+s24], $0x1000, $0x38;
	[tilespmem:$0x1C6A0] =	vst v63  }
.LBB2_9:
0xcd: {  	p0 =	seq.s32 s24, $0x0  }
0xce: {  	s25 =	simm.s32 @!p0 $0x3  }
0xcf: {  	_ =	swait.ge @!p0 [sflag:s25], $0x1000  }
0xd0: {  	[sflag:s25] =	ssyncset.done @!p0 $0x0  }
0xd1: {  	[sflag:s25] =	ssyncadd.s32 @!p0 $0xFFFFF000  }
0xd2: {  	_ =	swait.ge [sflag:s17], $0x1000  }
0xd3: {  	[sflag:s17] =	ssyncset.done $0x0  }
0xd4: {  	s31 =	simm.s32 $0x18720;
	[sflag:s17] =	ssyncadd.s32 $0xFFFFF000  }
0xd5: {  	v0 =	vld [tilespmem:s31+$0x70]  }
0xd6: {  	v1 =	vld [tilespmem:s31+$0xFFFFFF90]  }
0xd7: {  	v2 =	vld [tilespmem:s31+$0xFFFFFFA0]  }
0xd8: {  	v3 =	vld [tilespmem:s31+$0xFFFFFFB0]  }
0xd9: {  	v4 =	vld [tilespmem:s31+$0xFFFFFFC0]  }
0xda: {  	v5 =	vld [tilespmem:s31+$0xFFFFFFD0]  }
0xdb: {  	v6 =	vld [tilespmem:s31+$0xFFFFFFE0]  }
0xdc: {  	v7 =	vld [tilespmem:s31+$0xFFFFFFF0]  }
0xdd: {  	v8 =	vld [tilespmem:s31+$0x0]  }
0xde: {  	v9 =	vld [tilespmem:s31+$0x10]  }
0xdf: {  	v10 =	vld [tilespmem:s31+$0x20]  }
0xe0: {  	v11 =	vld [tilespmem:s31+$0x30]  }
0xe1: {  	v12 =	vld [tilespmem:s31+$0x40]  }
0xe2: {  	v13 =	vld [tilespmem:s31+$0x50]  }
0xe3: {  	v14 =	vld [tilespmem:s31+$0x60]  }
0xe4: {  	v15 =	vld [tilespmem:s31+$0xFFFFFF80]  }
0xe5: {  	v0 =	vld.idx.msk [tilespmem:v0+s2+$0x0], $0xffff  }
0xe6: {  	v1 =	vld.idx.msk [tilespmem:v1+s2+$0x0], $0xffff  }
0xe7: {  	v2 =	vld.idx.msk [tilespmem:v2+s2+$0x0], $0xffff  }
0xe8: {  	v3 =	vld.idx.msk [tilespmem:v3+s2+$0x0], $0xffff  }
0xe9: {  	v4 =	vld.idx.msk [tilespmem:v4+s2+$0x0], $0xffff  }
0xea: {  	s28 =	simm.s32 $0x1A720;
	v5 =	vld.idx.msk [tilespmem:v5+s2+$0x0], $0xffff  }
0xeb: {  	v6 =	vld.idx.msk [tilespmem:v6+s2+$0x0], $0xffff;
	[tilespmem:s28+$0x70] =	vst v0  }
0xec: {  	v7 =	vld.idx.msk [tilespmem:v7+s2+$0x0], $0xffff;
	[tilespmem:s28+$0xFFFFFF90] =	vst v1  }
0xed: {  	v15 =	vld.idx.msk [tilespmem:v15+s2+$0x0], $0xffff;
	[tilespmem:s28+$0xFFFFFFA0] =	vst v2  }
0xee: {  	v8 =	vld.idx.msk [tilespmem:v8+s2+$0x0], $0xffff;
	[tilespmem:s28+$0xFFFFFFB0] =	vst v3  }
0xef: {  	[tilespmem:s28+$0xFFFFFFC0] =	vst v4;
	v0 =	vld.idx.msk [tilespmem:v9+s2+$0x0], $0xffff  }
0xf0: {  	[tilespmem:s28+$0xFFFFFFD0] =	vst v5;
	v1 =	vld.idx.msk [tilespmem:v10+s2+$0x0], $0xffff  }
0xf1: {  	[tilespmem:s28+$0xFFFFFFE0] =	vst v6;
	v2 =	vld.idx.msk [tilespmem:v11+s2+$0x0], $0xffff  }
0xf2: {  	[tilespmem:s28+$0xFFFFFFF0] =	vst v7;
	v3 =	vld.idx.msk [tilespmem:v12+s2+$0x0], $0xffff  }
0xf3: {  	[tilespmem:s28+$0xFFFFFF80] =	vst v15;
	v4 =	vld.idx.msk [tilespmem:v13+s2+$0x0], $0xffff  }
0xf4: {  	s26 =	simm.s32 $0x0;
	s29 =	simm.s32 $0x18820;
	s25 =	sshll.u32 s24, $0xA;
	[tilespmem:s28+$0x0] =	vst v8;
	v5 =	vld.idx.msk [tilespmem:v14+s2+$0x0], $0xffff  }
.LBB2_10:
0xf5: {  	v6 =	vld [tilespmem:s29+$0x70];
	s26 =	sadd.s32 $0x10, s26;
	[tilespmem:s28+$0x10] =	vst v0  }
0xf6: {  	v0 =	vld [tilespmem:s29+$0xFFFFFF90];
	p0 =	slt.u32 s26, $0xF0;
	[tilespmem:s28+$0x20] =	vst v1  }
0xf7: {  	v1 =	vld [tilespmem:s29+$0xFFFFFFA0];
	[tilespmem:s28+$0x30] =	vst v2  }
0xf8: {  	v2 =	vld [tilespmem:s29+$0xFFFFFFB0];
	[tilespmem:s28+$0x40] =	vst v3  }
0xf9: {  	v3 =	vld [tilespmem:s29+$0xFFFFFFC0];
	[tilespmem:s28+$0x50] =	vst v4  }
0xfa: {  	v4 =	vld [tilespmem:s29+$0xFFFFFFD0];
	[tilespmem:s28+$0x60] =	vst v5  }
0xfb: {  	v5 =	vld [tilespmem:s29+$0xFFFFFFE0]  }
0xfc: {  	v7 =	vld [tilespmem:s29+$0xFFFFFFF0]  }
0xfd: {  	v6 =	vld.idx.msk [tilespmem:v6+s2+$0x0], $0xffff  }
0xfe: {  	v8 =	vld [tilespmem:s29+$0x0]  }
0xff: {  	v9 =	vld [tilespmem:s29+$0x10]  }
0x100: {  	v10 =	vld [tilespmem:s29+$0x20]  }
0x101: {  	v11 =	vld [tilespmem:s29+$0x30]  }
0x102: {  	s28 =	sadd.s32 $0x100, s28;
	v12 =	vld [tilespmem:s29+$0x40]  }
0x103: {  	v13 =	vld [tilespmem:s29+$0x50];
	[tilespmem:s28+$0x70] =	vst v6  }
0x104: {  	v6 =	vld [tilespmem:s29+$0x60]  }
0x105: {  	v14 =	vld [tilespmem:s29+$0xFFFFFF80]  }
0x106: {  	v0 =	vld.idx.msk [tilespmem:v0+s2+$0x0], $0xffff  }
0x107: {  	v1 =	vld.idx.msk [tilespmem:v1+s2+$0x0], $0xffff  }
0x108: {  	v2 =	vld.idx.msk [tilespmem:v2+s2+$0x0], $0xffff  }
0x109: {  	v3 =	vld.idx.msk [tilespmem:v3+s2+$0x0], $0xffff  }
0x10a: {  	v4 =	vld.idx.msk [tilespmem:v4+s2+$0x0], $0xffff  }
0x10b: {  	v5 =	vld.idx.msk [tilespmem:v5+s2+$0x0], $0xffff  }
0x10c: {  	[tilespmem:s28+$0xFFFFFF90] =	vst v0;
	v7 =	vld.idx.msk [tilespmem:v7+s2+$0x0], $0xffff  }
0x10d: {  	v14 =	vld.idx.msk [tilespmem:v14+s2+$0x0], $0xffff;
	[tilespmem:s28+$0xFFFFFFA0] =	vst v1  }
0x10e: {  	[tilespmem:s28+$0xFFFFFFB0] =	vst v2;
	v8 =	vld.idx.msk [tilespmem:v8+s2+$0x0], $0xffff  }
0x10f: {  	[tilespmem:s28+$0xFFFFFFC0] =	vst v3;
	v0 =	vld.idx.msk [tilespmem:v9+s2+$0x0], $0xffff  }
.Ltmp6:
0x110: {  	[tilespmem:s28+$0xFFFFFFD0] =	vst v4;
	v1 =	vld.idx.msk [tilespmem:v10+s2+$0x0], $0xffff;
	(pc) =	sbr.rel @p0 .LBB2_10-.Ltmp6, $4  }
0x111: {  	[tilespmem:s28+$0xFFFFFFE0] =	vst v5;
	v2 =	vld.idx.msk [tilespmem:v11+s2+$0x0], $0xffff  }
0x112: {  	[tilespmem:s28+$0xFFFFFFF0] =	vst v7;
	v3 =	vld.idx.msk [tilespmem:v12+s2+$0x0], $0xffff  }
0x113: {  	[tilespmem:s28+$0xFFFFFF80] =	vst v14;
	v4 =	vld.idx.msk [tilespmem:v13+s2+$0x0], $0xffff  }
0x114: {  	s29 =	sadd.s32 $0x100, s29;
	[tilespmem:s28+$0x0] =	vst v8;
	v5 =	vld.idx.msk [tilespmem:v6+s2+$0x0], $0xffff  }
0x115: {  	[tilespmem:s28+$0x10] =	vst v0  }
0x116: {  	[tilespmem:s28+$0x20] =	vst v1  }
0x117: {  	[tilespmem:s28+$0x30] =	vst v2  }
0x118: {  	s26 =	sshll.u32 s24, $0x10;
	[tilespmem:s28+$0x40] =	vst v3  }
0x119: {  	p0 =	seq.s32 s24, $0x63;
	s26 =	sor.u32 s12, s26;
	[tilespmem:s28+$0x50] =	vst v4  }
0x11a: {  	p1 =	seq.s32 @!p0 s24, $0x0;
	s29 =	simm.s32 @!p0 $0x0;
	[tilespmem:s28+$0x60] =	vst v5;
	s28 =	sadd.s32 s4, s26  }
0x11b: {  	[hbm4b:s28+s2] =	stream.linear.scatter [tilespmem:s18], [sflag:$0x3], $0x1000, $0x38;
	[tilespmem:$0x1C6A0] =	vst v63  }
0x11c: {  	s30 =	simm.s32 @!p0 $0x186A0;
	p1 =	por p0, !p1;
	s28 =	sadd.s32 @!p0 s25, s8  }
0x11d: {  	[tilespmem:s30], [sflag:$0x1] =	stream.linear.gather @!p0 [hbm4b:s28+s29], $0x1000, $0x38;
	[tilespmem:$0x1C6A0] =	vst v63  }
0x11e: {  	_ =	swait.ge @p1 [sflag:s22], $0x1000  }
0x11f: {  	[sflag:s22] =	ssyncset.done @p1 $0x0  }
0x120: {  	[sflag:s22] =	ssyncadd.s32 @p1 $0xFFFFF000  }
0x121: {  	_ =	swait.ge [sflag:s19], $0x1000  }
0x122: {  	[sflag:s19] =	ssyncset.done $0x0  }
0x123: {  	s28 =	simm.s32 $0x19720;
	[sflag:s19] =	ssyncadd.s32 $0xFFFFF000  }
0x124: {  	v0 =	vld [tilespmem:s28+$0x70]  }
0x125: {  	v1 =	vld [tilespmem:s28+$0xFFFFFF90]  }
0x126: {  	v2 =	vld [tilespmem:s28+$0xFFFFFFA0]  }
0x127: {  	v3 =	vld [tilespmem:s28+$0xFFFFFFB0]  }
0x128: {  	v4 =	vld [tilespmem:s28+$0xFFFFFFC0]  }
0x129: {  	v5 =	vld [tilespmem:s28+$0xFFFFFFD0]  }
0x12a: {  	v6 =	vld [tilespmem:s28+$0xFFFFFFE0]  }
0x12b: {  	v7 =	vld [tilespmem:s28+$0xFFFFFFF0]  }
0x12c: {  	v8 =	vld [tilespmem:s28+$0x0]  }
0x12d: {  	v9 =	vld [tilespmem:s28+$0x10]  }
0x12e: {  	v10 =	vld [tilespmem:s28+$0x20]  }
0x12f: {  	v11 =	vld [tilespmem:s28+$0x30]  }
0x130: {  	v12 =	vld [tilespmem:s28+$0x40]  }
0x131: {  	v13 =	vld [tilespmem:s28+$0x50]  }
0x132: {  	v14 =	vld [tilespmem:s28+$0x60]  }
0x133: {  	v15 =	vld [tilespmem:s28+$0xFFFFFF80]  }
0x134: {  	v0 =	vld.idx.msk [tilespmem:v0+s2+$0x0], $0xffff  }
0x135: {  	v1 =	vld.idx.msk [tilespmem:v1+s2+$0x0], $0xffff  }
0x136: {  	v2 =	vld.idx.msk [tilespmem:v2+s2+$0x0], $0xffff  }
0x137: {  	v3 =	vld.idx.msk [tilespmem:v3+s2+$0x0], $0xffff  }
0x138: {  	v4 =	vld.idx.msk [tilespmem:v4+s2+$0x0], $0xffff  }
0x139: {  	s28 =	simm.s32 $0x1B720;
	v5 =	vld.idx.msk [tilespmem:v5+s2+$0x0], $0xffff  }
0x13a: {  	v6 =	vld.idx.msk [tilespmem:v6+s2+$0x0], $0xffff;
	[tilespmem:s28+$0x70] =	vst v0  }
0x13b: {  	v7 =	vld.idx.msk [tilespmem:v7+s2+$0x0], $0xffff;
	[tilespmem:s28+$0xFFFFFF90] =	vst v1  }
0x13c: {  	v15 =	vld.idx.msk [tilespmem:v15+s2+$0x0], $0xffff;
	[tilespmem:s28+$0xFFFFFFA0] =	vst v2  }
0x13d: {  	v8 =	vld.idx.msk [tilespmem:v8+s2+$0x0], $0xffff;
	[tilespmem:s28+$0xFFFFFFB0] =	vst v3  }
0x13e: {  	[tilespmem:s28+$0xFFFFFFC0] =	vst v4;
	v0 =	vld.idx.msk [tilespmem:v9+s2+$0x0], $0xffff  }
0x13f: {  	[tilespmem:s28+$0xFFFFFFD0] =	vst v5;
	v1 =	vld.idx.msk [tilespmem:v10+s2+$0x0], $0xffff  }
0x140: {  	[tilespmem:s28+$0xFFFFFFE0] =	vst v6;
	v2 =	vld.idx.msk [tilespmem:v11+s2+$0x0], $0xffff  }
0x141: {  	[tilespmem:s28+$0xFFFFFFF0] =	vst v7;
	v3 =	vld.idx.msk [tilespmem:v12+s2+$0x0], $0xffff  }
0x142: {  	[tilespmem:s28+$0xFFFFFF80] =	vst v15;
	v4 =	vld.idx.msk [tilespmem:v13+s2+$0x0], $0xffff  }
0x143: {  	s29 =	simm.s32 $0x0;
	s30 =	simm.s32 $0x19820;
	[tilespmem:s28+$0x0] =	vst v8;
	v5 =	vld.idx.msk [tilespmem:v14+s2+$0x0], $0xffff  }
.LBB2_12:
0x144: {  	v6 =	vld [tilespmem:s30+$0x70];
	s29 =	sadd.s32 $0x10, s29;
	[tilespmem:s28+$0x10] =	vst v0  }
0x145: {  	v0 =	vld [tilespmem:s30+$0xFFFFFF90];
	p1 =	slt.u32 s29, $0xF0;
	[tilespmem:s28+$0x20] =	vst v1  }
0x146: {  	v1 =	vld [tilespmem:s30+$0xFFFFFFA0];
	[tilespmem:s28+$0x30] =	vst v2  }
0x147: {  	v2 =	vld [tilespmem:s30+$0xFFFFFFB0];
	[tilespmem:s28+$0x40] =	vst v3  }
0x148: {  	v3 =	vld [tilespmem:s30+$0xFFFFFFC0];
	[tilespmem:s28+$0x50] =	vst v4  }
0x149: {  	v4 =	vld [tilespmem:s30+$0xFFFFFFD0];
	[tilespmem:s28+$0x60] =	vst v5  }
0x14a: {  	v5 =	vld [tilespmem:s30+$0xFFFFFFE0]  }
0x14b: {  	v7 =	vld [tilespmem:s30+$0xFFFFFFF0]  }
0x14c: {  	v6 =	vld.idx.msk [tilespmem:v6+s2+$0x0], $0xffff  }
0x14d: {  	v8 =	vld [tilespmem:s30+$0x0]  }
0x14e: {  	v9 =	vld [tilespmem:s30+$0x10]  }
0x14f: {  	v10 =	vld [tilespmem:s30+$0x20]  }
0x150: {  	v11 =	vld [tilespmem:s30+$0x30]  }
0x151: {  	s28 =	sadd.s32 $0x100, s28;
	v12 =	vld [tilespmem:s30+$0x40]  }
0x152: {  	v13 =	vld [tilespmem:s30+$0x50];
	[tilespmem:s28+$0x70] =	vst v6  }
0x153: {  	v6 =	vld [tilespmem:s30+$0x60]  }
0x154: {  	v14 =	vld [tilespmem:s30+$0xFFFFFF80]  }
0x155: {  	v0 =	vld.idx.msk [tilespmem:v0+s2+$0x0], $0xffff  }
0x156: {  	v1 =	vld.idx.msk [tilespmem:v1+s2+$0x0], $0xffff  }
0x157: {  	v2 =	vld.idx.msk [tilespmem:v2+s2+$0x0], $0xffff  }
0x158: {  	v3 =	vld.idx.msk [tilespmem:v3+s2+$0x0], $0xffff  }
0x159: {  	v4 =	vld.idx.msk [tilespmem:v4+s2+$0x0], $0xffff  }
0x15a: {  	v5 =	vld.idx.msk [tilespmem:v5+s2+$0x0], $0xffff  }
0x15b: {  	[tilespmem:s28+$0xFFFFFF90] =	vst v0;
	v7 =	vld.idx.msk [tilespmem:v7+s2+$0x0], $0xffff  }
0x15c: {  	v14 =	vld.idx.msk [tilespmem:v14+s2+$0x0], $0xffff;
	[tilespmem:s28+$0xFFFFFFA0] =	vst v1  }
0x15d: {  	[tilespmem:s28+$0xFFFFFFB0] =	vst v2;
	v8 =	vld.idx.msk [tilespmem:v8+s2+$0x0], $0xffff  }
0x15e: {  	[tilespmem:s28+$0xFFFFFFC0] =	vst v3;
	v0 =	vld.idx.msk [tilespmem:v9+s2+$0x0], $0xffff  }
.Ltmp7:
0x15f: {  	[tilespmem:s28+$0xFFFFFFD0] =	vst v4;
	v1 =	vld.idx.msk [tilespmem:v10+s2+$0x0], $0xffff;
	(pc) =	sbr.rel @p1 .LBB2_12-.Ltmp7, $4  }
0x160: {  	[tilespmem:s28+$0xFFFFFFE0] =	vst v5;
	v2 =	vld.idx.msk [tilespmem:v11+s2+$0x0], $0xffff  }
0x161: {  	[tilespmem:s28+$0xFFFFFFF0] =	vst v7;
	v3 =	vld.idx.msk [tilespmem:v12+s2+$0x0], $0xffff  }
0x162: {  	[tilespmem:s28+$0xFFFFFF80] =	vst v14;
	v4 =	vld.idx.msk [tilespmem:v13+s2+$0x0], $0xffff  }
0x163: {  	s30 =	sadd.s32 $0x100, s30;
	[tilespmem:s28+$0x0] =	vst v8;
	v5 =	vld.idx.msk [tilespmem:v6+s2+$0x0], $0xffff  }
0x164: {  	[tilespmem:s28+$0x10] =	vst v0  }
0x165: {  	[tilespmem:s28+$0x20] =	vst v1  }
.Ltmp8:
0x166: {  	[tilespmem:s28+$0x30] =	vst v2;
	(pc) =	sbr.rel @p0 .LBB2_15-.Ltmp8, $4  }
0x167: {  	[tilespmem:s28+$0x40] =	vst v3  }
0x168: {  	[tilespmem:s28+$0x50] =	vst v4  }
0x169: {  	s26 =	sadd.s32 s26, s9;
	[tilespmem:s28+$0x60] =	vst v5  }
0x16a: {  	[hbm4b:s26+s2] =	stream.linear.scatter [tilespmem:s20], [sflag:$0x4], $0x1000, $0x38;
	[tilespmem:$0x1C6A0] =	vst v63  }
.Ltmp9:
0x16b: {  	(pc) =	sbr.rel .LBB2_9-.Ltmp9, $3  }
0x16c: {  	_ =	sdelay $0x1  }
0x16d: {  	s25 =	sadd.s32 s25, s10;
	s24 =	sadd.s32 $0x1, s24  }
0x16e: {  	[tilespmem:s16], [sflag:$0x2] =	stream.linear.gather [hbm4b:s25+s2], $0x1000, $0x38;
	[tilespmem:$0x1C6A0] =	vst v63  }
.LBB2_16:
0x16f: {  	_ =	sfence.sel $0x180000  }
0x170: {  	[bflag:$0x0] =	sbarrier.arrive $0xFFFF  }
0x171: {  	p0 =	sne.s32 s1, $0x0;
	_ =	strace $0x90000047  }
0x172: {  	s0 =	sadd.s32 @!p0 $0x100000, s0;
	[bflag:$0x2] =	sbarrier.arrive $0xFFFF  }
0x173: {  	[sflag:s0] =	ssyncadd.tile.s32 @!p0 $0x1;
	_ =	shalt  }
.Lfunc_end2:
_tile_overlayer_lowered:
.L_overlay_start_2:
0x174: {  	(tag) =	ssettag $0x2  }
0x175: {  	s0 =	rddreg [dreg:$0x0];
	s2 =	stileid.u32  }
0x176: {  	s1 =	rddreg [dreg:$0x1];
	p0 =	sne.s32 s2, $0x0  }
0x177: {  	s3 =	rddreg [dreg:$0x2];
	[bflag:$0x3] =	sbarrier.arrive $0xFFFF;
	s2 =	simm.s32 @!p0 $0x1C05  }
0x178: {  	[timem:s3], [sflag:s2] =	dma.local @!p0 [hbm:s0], s1  }
0x179: {  	s0 =	simm.s32 @!p0 $0x5  }
0x17a: {  	_ =	swait.ge @!p0 [sflag:s0], s1  }
0x17b: {  	s1 =	ssub.s32 @!p0 $0x0, s1;
	[sflag:s0] =	ssyncset.done @!p0 $0x0  }
0x17c: {  	[sflag:s0] =	ssyncadd.s32 @!p0 s1  }
0x17d: {  	[bflag:$0x3] =	sbarrier.arrive $0xFFFF  }
0x17e: {  	_ =	shalt  }

</sc_bundles>
